<compile_context>
chip_gen: v7x
topology: tpu7x:2x2x1
jax: 0.10.2.dev20260603
libtpu: 0.0.44.dev20260713+nightly
codegen_flags: <defaults>
</compile_context>

<pallas_src>
import functools

import jax
import jax.numpy as jnp
from jax import lax
from jax.experimental import pallas as pl
from jax.experimental.pallas import tpu as pltpu
from jax.experimental.pallas import tpu_sc as plsc

N_CORES = 2
N_SUB = 16
N_TILES = N_CORES * N_SUB
CHUNK = 128

_MESH = dict(core_axis_name="c", subcore_axis_name="s",
             num_cores=N_CORES, num_subcores=N_SUB)


def _sc_hist(src_b, dst_b, zeros_row, n_pad):
    k_chunks = src_b.shape[1]
    lanes = 16

    @functools.partial(
        pl.kernel,
        out_type=(jax.ShapeDtypeStruct((N_TILES, n_pad), jnp.float32),
                  jax.ShapeDtypeStruct((N_TILES, n_pad), jnp.float32)),
        mesh=plsc.VectorSubcoreMesh(**_MESH),
        compiler_params=pltpu.CompilerParams(needs_layout_passes=False),
        scratch_types=[
            pltpu.VMEM((k_chunks, CHUNK), jnp.int32),
            pltpu.VMEM((k_chunks, CHUNK), jnp.int32),
            pltpu.VMEM((n_pad,), jnp.float32),
            pltpu.VMEM((n_pad,), jnp.float32),
        ],
    )
    def hist(src_hbm, dst_hbm, zeros_hbm, hs_out, hd_out,
             src_v, dst_v, hso_v, hdi_v):
        c = lax.axis_index("c")
        s = lax.axis_index("s")
        wid = c * N_SUB + s
        pltpu.sync_copy(zeros_hbm, hso_v)
        pltpu.sync_copy(zeros_hbm, hdi_v)
        pltpu.sync_copy(src_hbm.at[wid], src_v)
        pltpu.sync_copy(dst_hbm.at[wid], dst_v)
        ones = jnp.ones((lanes,), jnp.float32)

        def body(j, carry):
            for l in range(CHUNK // lanes):
                idx_s = src_v[j, pl.ds(l * lanes, lanes)]
                plsc.addupdate_scatter(hso_v, [idx_s], ones)
                idx_d = dst_v[j, pl.ds(l * lanes, lanes)]
                plsc.addupdate_scatter(hdi_v, [idx_d], ones)
            return carry

        lax.fori_loop(0, k_chunks, body, 0)
        pltpu.sync_copy(hso_v, hs_out.at[wid])
        pltpu.sync_copy(hdi_v, hd_out.at[wid])

    return hist(src_b, dst_b, zeros_row)


def _sc_aggregate(h, src_b, dst_b, zeros_rows, n_pad, d):
    k_chunks = src_b.shape[1]
    rpt = n_pad // N_SUB

    assert k_chunks % 4 == 0
    k_half = k_chunks // 2
    n_pairs = k_half // 2

    @functools.partial(
        pl.kernel,
        out_type=jax.ShapeDtypeStruct((N_CORES, n_pad, d), jnp.float32),
        mesh=plsc.VectorSubcoreMesh(**_MESH),
        scratch_types=[
            pltpu.VMEM((k_half, CHUNK), jnp.int32),
            pltpu.VMEM((k_half, CHUNK), jnp.int32),
            pltpu.VMEM((CHUNK, d), jnp.float32),
            pltpu.VMEM((CHUNK, d), jnp.float32),
            pltpu.VMEM_SHARED((n_pad, d), jnp.float32),
            pltpu.SemaphoreType.DMA,
            pltpu.SemaphoreType.DMA,
        ],
    )
    def agg(h_hbm, src_hbm, dst_hbm, zeros_hbm, agg_out,
            src_v, dst_v, rows_a, rows_b, agg_sh, sem_a, sem_b):
        c = lax.axis_index("c")
        s = lax.axis_index("s")
        wid = c * N_SUB + s
        sl = pl.ds(s * rpt, rpt)
        pltpu.sync_copy(zeros_hbm, agg_sh.at[sl])
        plsc.subcore_barrier()

        for half in range(2):
            pltpu.sync_copy(src_hbm.at[wid, pl.ds(half * k_half, k_half)],
                            src_v)
            pltpu.sync_copy(dst_hbm.at[wid, pl.ds(half * k_half, k_half)],
                            dst_v)
            pltpu.async_copy(h_hbm.at[src_v.at[0]], rows_a, sem_a)
            pltpu.async_copy(h_hbm.at[src_v.at[1]], rows_b, sem_b)

            def body(j2, carry):
                ja = 2 * j2
                jb = ja + 1
                pltpu.make_async_copy(
                    h_hbm.at[src_v.at[ja]], rows_a, sem_a).wait()
                pltpu.sync_copy(rows_a, agg_sh.at[dst_v.at[ja]], add=True)

                @pl.when(j2 < n_pairs - 1)
                def _():
                    pltpu.async_copy(h_hbm.at[src_v.at[ja + 2]], rows_a, sem_a)

                pltpu.make_async_copy(
                    h_hbm.at[src_v.at[jb]], rows_b, sem_b).wait()
                pltpu.sync_copy(rows_b, agg_sh.at[dst_v.at[jb]], add=True)

                @pl.when(j2 < n_pairs - 1)
                def _():
                    pltpu.async_copy(h_hbm.at[src_v.at[jb + 2]], rows_b, sem_b)

                return carry

            lax.fori_loop(0, n_pairs, body, 0)

        plsc.subcore_barrier()
        pltpu.sync_copy(agg_sh.at[sl], agg_out.at[c].at[sl])

    return agg(h, src_b, dst_b, zeros_rows)


def _tc_layer1(f_pad, w1, hs):
    n_pad, d_in = f_pad.shape
    d_hid = w1.shape[1]

    def body(f_ref, w_ref, hs_ref, o_ref):
        deg = jnp.sum(hs_ref[...], axis=0)
        ns = lax.rsqrt(jnp.maximum(deg, 1.0))
        m = jnp.dot(f_ref[...], w_ref[...], preferred_element_type=jnp.float32)
        o_ref[...] = m * ns[:, None]

    return pl.pallas_call(
        body,
        out_shape=jax.ShapeDtypeStruct((n_pad, d_hid), jnp.float32),
    )(f_pad, w1, hs)


def _tc_layer2(agg1, hs, hd, b1, w2, d_pad):
    n_pad = agg1.shape[1]
    d_out = w2.shape[1]

    def body(a_ref, hs_ref, hd_ref, b_ref, w_ref, o_ref):
        deg_o = jnp.sum(hs_ref[...], axis=0)
        deg_i = jnp.sum(hd_ref[...], axis=0)
        ns = lax.rsqrt(jnp.maximum(deg_o, 1.0))
        nd = lax.rsqrt(jnp.maximum(deg_i, 1.0))
        x = (a_ref[0] + a_ref[1]) * nd[:, None] + b_ref[...]
        x = jnp.maximum(x, 0.0)
        m = jnp.dot(x, w_ref[...], preferred_element_type=jnp.float32)
        m = m * ns[:, None]
        if d_pad > d_out:
            m = jnp.concatenate(
                [m, jnp.zeros((n_pad, d_pad - d_out), jnp.float32)], axis=1)
        o_ref[...] = m

    return pl.pallas_call(
        body,
        out_shape=jax.ShapeDtypeStruct((n_pad, d_pad), jnp.float32),
    )(agg1, hs, hd, b1.reshape(1, -1), w2)


def _tc_final(agg2, hd, b2, n, d_out):

    def body(a_ref, hd_ref, b_ref, o_ref):
        deg_i = jnp.sum(hd_ref[...], axis=0)
        nd = lax.rsqrt(jnp.maximum(deg_i, 1.0))
        full = (a_ref[0, :, :d_out] + a_ref[1, :, :d_out]) * nd[:, None]
        o_ref[...] = full[:n, :] + b_ref[...]

    return pl.pallas_call(
        body,
        out_shape=jax.ShapeDtypeStruct((n, d_out), jnp.float32),
    )(agg2, hd, b2.reshape(1, -1))


def kernel(f, edge_index, W1, b1, W2, b2):
    n, d_in = f.shape
    d_hid = W1.shape[1]
    d_out = W2.shape[1]
    e = edge_index.shape[1]

    n_pad = ((n + N_SUB * 8) // (N_SUB * 8)) * (N_SUB * 8)
    per_xfer = N_TILES * CHUNK
    k_chunks = (e + per_xfer - 1) // per_xfer
    k_chunks = ((k_chunks + 3) // 4) * 4
    e_pad = k_chunks * per_xfer

    src = edge_index[0].astype(jnp.int32)
    dst = edge_index[1].astype(jnp.int32)
    pad = jnp.full((e_pad - e,), n, dtype=jnp.int32)
    src_b = jnp.concatenate([src, pad]).reshape(N_TILES, k_chunks, CHUNK)
    dst_b = jnp.concatenate([dst, pad]).reshape(N_TILES, k_chunks, CHUNK)

    rpt = n_pad // N_SUB
    zeros_row = jnp.zeros((n_pad,), jnp.float32)
    d_out_pad = ((d_out + 127) // 128) * 128
    zeros_hid = jnp.zeros((rpt, d_hid), jnp.float32)
    zeros_out = jnp.zeros((rpt, d_out_pad), jnp.float32)
    f_pad = jnp.zeros((n_pad, d_in), jnp.float32).at[:n].set(f)

    hs, hd = _sc_hist(src_b, dst_b, zeros_row, n_pad)
    h1 = _tc_layer1(f_pad, W1, hs)
    agg1 = _sc_aggregate(h1, src_b, dst_b, zeros_hid, n_pad, d_hid)
    h2 = _tc_layer2(agg1, hs, hd, b1, W2, d_out_pad)
    agg2 = _sc_aggregate(h2, src_b, dst_b, zeros_out, n_pad, d_out_pad)
    return _tc_final(agg2, hd, b2, n, d_out)

# --- scband reference (transcript-rebuilt; emitter-appended) ---
"""Pipeline reference for scband-gcn-2594160247143 (READ-ONLY COPY).

The authoritative reference and input builder live on the scoring server;
editing this copy changes nothing except your own understanding.
"""

import jax, jax.numpy as jnp
import numpy as np

N = 10000
E = 320000
D_IN = 128
D_HID = 128
D_OUT = 64


def setup_inputs(seed: int = 0) -> dict:
    key = jax.random.key(seed)
    k1, k2, k3, k4, k5, k6 = jax.random.split(key, 6)
    f = jax.random.normal(k1, (N, D_IN), dtype=jnp.float32)
    edge_index = jax.random.randint(k2, (2, E), 0, N)
    # GraphConv weights (glorot-ish init) and biases
    W1 = jax.random.normal(k3, (D_IN, D_HID), dtype=jnp.float32) * (1.0 / np.sqrt(D_IN))
    b1 = jnp.zeros((D_HID,), dtype=jnp.float32)
    W2 = jax.random.normal(k4, (D_HID, D_OUT), dtype=jnp.float32) * (1.0 / np.sqrt(D_HID))
    b2 = jnp.zeros((D_OUT,), dtype=jnp.float32)
    return {"f": f, "edge_index": edge_index, "W1": W1, "b1": b1, "W2": W2, "b2": b2}


def reference(f, edge_index, W1, b1, W2, b2):
    # DGL GraphConv with norm='both': out = D_dst^{-1/2} A (D_src^{-1/2} X) W + b
    src = edge_index[0]
    dst = edge_index[1]
    deg_out = jnp.zeros((N,), dtype=jnp.float32).at[src].add(1.0)
    deg_in = jnp.zeros((N,), dtype=jnp.float32).at[dst].add(1.0)
    norm_src = jnp.clip(deg_out, 1.0, None) ** -0.5
    norm_dst = jnp.clip(deg_in, 1.0, None) ** -0.5

    def graph_conv(x, W, b):
        h = (x * norm_src[:, None]) @ W  # weight applied before aggregation
        msg = h[src]                      # gather along edges
        agg = jnp.zeros((N, W.shape[1]), dtype=h.dtype).at[dst].add(msg)  # scatter-add
        return agg * norm_dst[:, None] + b

    x = jax.nn.relu(graph_conv(f, W1, b1))
    # F.dropout with training=False is identity (inference mode)
    x = graph_conv(x, W2, b2)
    return x

if __name__ == "__main__":
    import jax
    _d = setup_inputs()
    print(jax.jit(kernel)(*tuple(_d.values())))

</pallas_src>

<mosaic_0001>
#map = affine_map<(d0, d1) -> (0, 0)>
#map1 = affine_map<(d0, d1) -> (0, 0, 0)>
module attributes {stable_mosaic.version = 14 : i64} {
  func.func @agg(%arg0: i32, %arg1: i32, %arg2: memref<10112x128xf32, #tpu.memory_space<hbm>>, %arg3: memref<32x80x128xi32, #tpu.memory_space<hbm>>, %arg4: memref<32x80x128xi32, #tpu.memory_space<hbm>>, %arg5: memref<632x128xf32, #tpu.memory_space<hbm>>, %arg6: memref<2x10112x128xf32, #tpu.memory_space<hbm>>, %arg7: memref<40x128xi32, #tpu.memory_space<vmem>>, %arg8: memref<40x128xi32, #tpu.memory_space<vmem>>, %arg9: memref<128x128xf32, #tpu.memory_space<vmem>>, %arg10: memref<128x128xf32, #tpu.memory_space<vmem>>, %arg11: memref<10112x128xf32, #tpu.memory_space<vmem_shared>>, %arg12: memref<!tpu.dma_semaphore, #tpu.memory_space<semaphore_mem>>, %arg13: memref<!tpu.dma_semaphore, #tpu.memory_space<semaphore_mem>>) attributes {dimension_semantics = [#tpu.dimension_semantics<core_parallel>, #tpu.dimension_semantics<subcore_parallel>], iteration_bounds = array<i64: 2, 16>, scalar_prefetch = 0 : i64, scratch_operands = 7 : i64, tpu.core_type = #tpu.core_type<sc_vector_subcore>, window_params = [{transform_indices = #map}, {transform_indices = #map1}, {transform_indices = #map1}, {transform_indices = #map}, {transform_indices = #map1}]} {
    %mul3A = arith.constant 16 : i32
    %mul3A_0 = arith.muli %arg0, %mul3A : i32
    %add3A = arith.addi %mul3A_0, %arg1 : i32
    %mul3A_1 = arith.constant 632 : i32
    %mul3A_2 = arith.muli %arg1, %mul3A_1 : i32
    "tpu.region"() ({
      %run_scoped3A = tpu.sem_alloc : memref<!tpu.dma_semaphore, #tpu.memory_space<semaphore_mem>>
      %dma_start3A_42 = arith.constant 0 : i32
      %dma_start3A_43 = tpu.memref_slice %arg11[%mul3A_2, %dma_start3A_42] : memref<10112x128xf32, #tpu.memory_space<vmem_shared>> -> memref<632x128xf32, #tpu.memory_space<vmem_shared>>
      tpu.enqueue_dma source(%arg5 : memref<632x128xf32, #tpu.memory_space<hbm>>) target(%dma_start3A_43 : memref<632x128xf32, #tpu.memory_space<vmem_shared>>) target_semaphore(%run_scoped3A : memref<!tpu.dma_semaphore, #tpu.memory_space<semaphore_mem>>)
      %dma_wait3A = arith.constant 0 : i32
      %dma_wait3A_44 = tpu.memref_slice %arg11[%mul3A_2, %dma_wait3A] : memref<10112x128xf32, #tpu.memory_space<vmem_shared>> -> memref<632x128xf32, #tpu.memory_space<vmem_shared>>
      tpu.wait_dma2 semaphore(%run_scoped3A : memref<!tpu.dma_semaphore, #tpu.memory_space<semaphore_mem>>) src(%arg5 : memref<632x128xf32, #tpu.memory_space<hbm>>) dst(%dma_wait3A_44 : memref<632x128xf32, #tpu.memory_space<vmem_shared>>)
      tpu.yield
    }) : () -> ()
    %barrier3A = arith.constant 0 : index
    tpu.barrier barrier_id(%barrier3A)
    "tpu.region"() ({
      %run_scoped3A = tpu.sem_alloc : memref<!tpu.dma_semaphore, #tpu.memory_space<semaphore_mem>>
      %dma_start3A_42 = arith.constant 0 : i32
      %dma_start3A_43 = arith.constant 0 : i32
      %dma_start3A_44 = tpu.memref_slice %arg3[%add3A, %dma_start3A_42, %dma_start3A_43] : memref<32x80x128xi32, #tpu.memory_space<hbm>> -> memref<1x40x128xi32, #tpu.memory_space<hbm>>
      %dma_start3A_45 = tpu.memref_squeeze %dma_start3A_44 : memref<1x40x128xi32, #tpu.memory_space<hbm>> -> memref<40x128xi32, #tpu.memory_space<hbm>>
      %dma_start3A_46 = arith.constant 0 : i32
      %dma_start3A_47 = arith.constant 0 : i32
      %dma_start3A_48 = tpu.memref_slice %arg3[%add3A, %dma_start3A_46, %dma_start3A_47] : memref<32x80x128xi32, #tpu.memory_space<hbm>> -> memref<1x40x128xi32, #tpu.memory_space<hbm>>
      %dma_start3A_49 = tpu.memref_squeeze %dma_start3A_48 : memref<1x40x128xi32, #tpu.memory_space<hbm>> -> memref<40x128xi32, #tpu.memory_space<hbm>>
      tpu.enqueue_dma source(%dma_start3A_49 : memref<40x128xi32, #tpu.memory_space<hbm>>) target(%arg7 : memref<40x128xi32, #tpu.memory_space<vmem>>) target_semaphore(%run_scoped3A : memref<!tpu.dma_semaphore, #tpu.memory_space<semaphore_mem>>)
      %dma_wait3A = arith.constant 0 : i32
      %dma_wait3A_50 = arith.constant 0 : i32
      %dma_wait3A_51 = tpu.memref_slice %arg3[%add3A, %dma_wait3A, %dma_wait3A_50] : memref<32x80x128xi32, #tpu.memory_space<hbm>> -> memref<1x40x128xi32, #tpu.memory_space<hbm>>
      %dma_wait3A_52 = tpu.memref_squeeze %dma_wait3A_51 : memref<1x40x128xi32, #tpu.memory_space<hbm>> -> memref<40x128xi32, #tpu.memory_space<hbm>>
      %dma_wait3A_53 = arith.constant 0 : i32
      %dma_wait3A_54 = arith.constant 0 : i32
      %dma_wait3A_55 = tpu.memref_slice %arg3[%add3A, %dma_wait3A_53, %dma_wait3A_54] : memref<32x80x128xi32, #tpu.memory_space<hbm>> -> memref<1x40x128xi32, #tpu.memory_space<hbm>>
      %dma_wait3A_56 = tpu.memref_squeeze %dma_wait3A_55 : memref<1x40x128xi32, #tpu.memory_space<hbm>> -> memref<40x128xi32, #tpu.memory_space<hbm>>
      tpu.wait_dma2 semaphore(%run_scoped3A : memref<!tpu.dma_semaphore, #tpu.memory_space<semaphore_mem>>) src(%dma_wait3A_56 : memref<40x128xi32, #tpu.memory_space<hbm>>) dst(%arg7 : memref<40x128xi32, #tpu.memory_space<vmem>>)
      tpu.yield
    }) : () -> ()
    "tpu.region"() ({
      %run_scoped3A = tpu.sem_alloc : memref<!tpu.dma_semaphore, #tpu.memory_space<semaphore_mem>>
      %dma_start3A_42 = arith.constant 0 : i32
      %dma_start3A_43 = arith.constant 0 : i32
      %dma_start3A_44 = tpu.memref_slice %arg4[%add3A, %dma_start3A_42, %dma_start3A_43] : memref<32x80x128xi32, #tpu.memory_space<hbm>> -> memref<1x40x128xi32, #tpu.memory_space<hbm>>
      %dma_start3A_45 = tpu.memref_squeeze %dma_start3A_44 : memref<1x40x128xi32, #tpu.memory_space<hbm>> -> memref<40x128xi32, #tpu.memory_space<hbm>>
      %dma_start3A_46 = arith.constant 0 : i32
      %dma_start3A_47 = arith.constant 0 : i32
      %dma_start3A_48 = tpu.memref_slice %arg4[%add3A, %dma_start3A_46, %dma_start3A_47] : memref<32x80x128xi32, #tpu.memory_space<hbm>> -> memref<1x40x128xi32, #tpu.memory_space<hbm>>
      %dma_start3A_49 = tpu.memref_squeeze %dma_start3A_48 : memref<1x40x128xi32, #tpu.memory_space<hbm>> -> memref<40x128xi32, #tpu.memory_space<hbm>>
      tpu.enqueue_dma source(%dma_start3A_49 : memref<40x128xi32, #tpu.memory_space<hbm>>) target(%arg8 : memref<40x128xi32, #tpu.memory_space<vmem>>) target_semaphore(%run_scoped3A : memref<!tpu.dma_semaphore, #tpu.memory_space<semaphore_mem>>)
      %dma_wait3A = arith.constant 0 : i32
      %dma_wait3A_50 = arith.constant 0 : i32
      %dma_wait3A_51 = tpu.memref_slice %arg4[%add3A, %dma_wait3A, %dma_wait3A_50] : memref<32x80x128xi32, #tpu.memory_space<hbm>> -> memref<1x40x128xi32, #tpu.memory_space<hbm>>
      %dma_wait3A_52 = tpu.memref_squeeze %dma_wait3A_51 : memref<1x40x128xi32, #tpu.memory_space<hbm>> -> memref<40x128xi32, #tpu.memory_space<hbm>>
      %dma_wait3A_53 = arith.constant 0 : i32
      %dma_wait3A_54 = arith.constant 0 : i32
      %dma_wait3A_55 = tpu.memref_slice %arg4[%add3A, %dma_wait3A_53, %dma_wait3A_54] : memref<32x80x128xi32, #tpu.memory_space<hbm>> -> memref<1x40x128xi32, #tpu.memory_space<hbm>>
      %dma_wait3A_56 = tpu.memref_squeeze %dma_wait3A_55 : memref<1x40x128xi32, #tpu.memory_space<hbm>> -> memref<40x128xi32, #tpu.memory_space<hbm>>
      tpu.wait_dma2 semaphore(%run_scoped3A : memref<!tpu.dma_semaphore, #tpu.memory_space<semaphore_mem>>) src(%dma_wait3A_56 : memref<40x128xi32, #tpu.memory_space<hbm>>) dst(%arg8 : memref<40x128xi32, #tpu.memory_space<vmem>>)
      tpu.yield
    }) : () -> ()
    %dma_start3A = arith.constant 0 : i32
    %dma_start3A_3 = arith.constant 0 : i32
    %dma_start3A_4 = tpu.memref_slice %arg7[%dma_start3A, %dma_start3A_3] : memref<40x128xi32, #tpu.memory_space<vmem>> -> memref<1x128xi32, #tpu.memory_space<vmem>>
    %dma_start3A_5 = tpu.memref_squeeze %dma_start3A_4 : memref<1x128xi32, #tpu.memory_space<vmem>> -> memref<128xi32, #tpu.memory_space<vmem>>
    %dma_start3A_6 = arith.constant 0 : i32
    %dma_start3A_7 = arith.constant 0 : i32
    %dma_start3A_8 = tpu.memref_slice %arg2[%dma_start3A_6, %dma_start3A_7] : memref<10112x128xf32, #tpu.memory_space<hbm>> -> memref<10112x128xf32, #tpu.memory_space<hbm>>
    tpu.enqueue_indirect_dma source(%dma_start3A_8 : memref<10112x128xf32, #tpu.memory_space<hbm>>) target(%arg9 : memref<128x128xf32, #tpu.memory_space<vmem>>) offsets(%dma_start3A_5 : memref<128xi32, #tpu.memory_space<vmem>>) semaphore(%arg12 : memref<!tpu.dma_semaphore, #tpu.memory_space<semaphore_mem>>)
    %dma_start3A_9 = arith.constant 1 : i32
    %dma_start3A_10 = arith.constant 0 : i32
    %dma_start3A_11 = tpu.memref_slice %arg7[%dma_start3A_9, %dma_start3A_10] : memref<40x128xi32, #tpu.memory_space<vmem>> -> memref<1x128xi32, #tpu.memory_space<vmem>>
    %dma_start3A_12 = tpu.memref_squeeze %dma_start3A_11 : memref<1x128xi32, #tpu.memory_space<vmem>> -> memref<128xi32, #tpu.memory_space<vmem>>
    %dma_start3A_13 = arith.constant 0 : i32
    %dma_start3A_14 = arith.constant 0 : i32
    %dma_start3A_15 = tpu.memref_slice %arg2[%dma_start3A_13, %dma_start3A_14] : memref<10112x128xf32, #tpu.memory_space<hbm>> -> memref<10112x128xf32, #tpu.memory_space<hbm>>
    tpu.enqueue_indirect_dma source(%dma_start3A_15 : memref<10112x128xf32, #tpu.memory_space<hbm>>) target(%arg10 : memref<128x128xf32, #tpu.memory_space<vmem>>) offsets(%dma_start3A_12 : memref<128xi32, #tpu.memory_space<vmem>>) semaphore(%arg13 : memref<!tpu.dma_semaphore, #tpu.memory_space<semaphore_mem>>)
    %scan3A = arith.constant 0 : i32
    %scan3A_16 = arith.constant 0 : i32
    %scan3A_17 = arith.constant 20 : i32
    %scan3A_18 = arith.addi %scan3A_16, %scan3A_17 : i32
    %scan3A_19 = arith.constant 1 : i32
    scf.for %scan3A_42 = %scan3A_16 to %scan3A_18 step %scan3A_19  : i32 {
      %mul3A_43 = arith.constant 2 : i32
      %mul3A_44 = arith.muli %mul3A_43, %scan3A_42 : i32
      %add3A_45 = arith.constant 1 : i32
      %add3A_46 = arith.addi %mul3A_44, %add3A_45 : i32
      %dma_wait3A = arith.constant 0 : i32
      %dma_wait3A_47 = tpu.memref_slice %arg7[%mul3A_44, %dma_wait3A] : memref<40x128xi32, #tpu.memory_space<vmem>> -> memref<1x128xi32, #tpu.memory_space<vmem>>
      %dma_wait3A_48 = tpu.memref_squeeze %dma_wait3A_47 : memref<1x128xi32, #tpu.memory_space<vmem>> -> memref<128xi32, #tpu.memory_space<vmem>>
      %dma_wait3A_49 = arith.constant 0 : i32
      %dma_wait3A_50 = arith.constant 0 : i32
      %dma_wait3A_51 = tpu.memref_slice %arg2[%dma_wait3A_49, %dma_wait3A_50] : memref<10112x128xf32, #tpu.memory_space<hbm>> -> memref<10112x128xf32, #tpu.memory_space<hbm>>
      tpu.wait_indirect_dma semaphore(%arg12 : memref<!tpu.dma_semaphore, #tpu.memory_space<semaphore_mem>>) src(%dma_wait3A_51 : memref<10112x128xf32, #tpu.memory_space<hbm>>) dst(%arg9 : memref<128x128xf32, #tpu.memory_space<vmem>>)
      "tpu.region"() ({
        %run_scoped3A = tpu.sem_alloc : memref<!tpu.dma_semaphore, #tpu.memory_space<semaphore_mem>>
        %dma_start3A_65 = arith.constant 0 : i32
        %dma_start3A_66 = tpu.memref_slice %arg8[%mul3A_44, %dma_start3A_65] : memref<40x128xi32, #tpu.memory_space<vmem>> -> memref<1x128xi32, #tpu.memory_space<vmem>>
        %dma_start3A_67 = tpu.memref_squeeze %dma_start3A_66 : memref<1x128xi32, #tpu.memory_space<vmem>> -> memref<128xi32, #tpu.memory_space<vmem>>
        %dma_start3A_68 = arith.constant 0 : i32
        %dma_start3A_69 = arith.constant 0 : i32
        %dma_start3A_70 = tpu.memref_slice %arg11[%dma_start3A_68, %dma_start3A_69] : memref<10112x128xf32, #tpu.memory_space<vmem_shared>> -> memref<10112x128xf32, #tpu.memory_space<vmem_shared>>
        tpu.enqueue_indirect_dma source(%arg9 : memref<128x128xf32, #tpu.memory_space<vmem>>) target(%dma_start3A_70 : memref<10112x128xf32, #tpu.memory_space<vmem_shared>>) offsets(%dma_start3A_67 : memref<128xi32, #tpu.memory_space<vmem>>) semaphore(%run_scoped3A : memref<!tpu.dma_semaphore, #tpu.memory_space<semaphore_mem>>) {add = true}
        %dma_wait3A_71 = arith.constant 0 : i32
        %dma_wait3A_72 = tpu.memref_slice %arg8[%mul3A_44, %dma_wait3A_71] : memref<40x128xi32, #tpu.memory_space<vmem>> -> memref<1x128xi32, #tpu.memory_space<vmem>>
        %dma_wait3A_73 = tpu.memref_squeeze %dma_wait3A_72 : memref<1x128xi32, #tpu.memory_space<vmem>> -> memref<128xi32, #tpu.memory_space<vmem>>
        %dma_wait3A_74 = arith.constant 0 : i32
        %dma_wait3A_75 = arith.constant 0 : i32
        %dma_wait3A_76 = tpu.memref_slice %arg11[%dma_wait3A_74, %dma_wait3A_75] : memref<10112x128xf32, #tpu.memory_space<vmem_shared>> -> memref<10112x128xf32, #tpu.memory_space<vmem_shared>>
        tpu.wait_indirect_dma semaphore(%run_scoped3A : memref<!tpu.dma_semaphore, #tpu.memory_space<semaphore_mem>>) src(%arg9 : memref<128x128xf32, #tpu.memory_space<vmem>>) dst(%dma_wait3A_76 : memref<10112x128xf32, #tpu.memory_space<vmem_shared>>)
        tpu.yield
      }) : () -> ()
      %lt3A = arith.constant 19 : i32
      %lt3A_52 = arith.cmpi slt, %scan3A_42, %lt3A : i32
      %convert_element_type3A = arith.extui %lt3A_52 : i1 to i32
      %cond3A = arith.constant 0 : i32
      %cond3A_53 = arith.cmpi ne, %convert_element_type3A, %cond3A : i32
      scf.if %cond3A_53 {
        %add3A_65 = arith.constant 2 : i32
        %add3A_66 = arith.addi %mul3A_44, %add3A_65 : i32
        %dma_start3A_67 = arith.constant 0 : i32
        %dma_start3A_68 = tpu.memref_slice %arg7[%add3A_66, %dma_start3A_67] : memref<40x128xi32, #tpu.memory_space<vmem>> -> memref<1x128xi32, #tpu.memory_space<vmem>>
        %dma_start3A_69 = tpu.memref_squeeze %dma_start3A_68 : memref<1x128xi32, #tpu.memory_space<vmem>> -> memref<128xi32, #tpu.memory_space<vmem>>
        %dma_start3A_70 = arith.constant 0 : i32
        %dma_start3A_71 = arith.constant 0 : i32
        %dma_start3A_72 = tpu.memref_slice %arg2[%dma_start3A_70, %dma_start3A_71] : memref<10112x128xf32, #tpu.memory_space<hbm>> -> memref<10112x128xf32, #tpu.memory_space<hbm>>
        tpu.enqueue_indirect_dma source(%dma_start3A_72 : memref<10112x128xf32, #tpu.memory_space<hbm>>) target(%arg9 : memref<128x128xf32, #tpu.memory_space<vmem>>) offsets(%dma_start3A_69 : memref<128xi32, #tpu.memory_space<vmem>>) semaphore(%arg12 : memref<!tpu.dma_semaphore, #tpu.memory_space<semaphore_mem>>)
      } else {
      }
      %dma_wait3A_54 = arith.constant 0 : i32
      %dma_wait3A_55 = tpu.memref_slice %arg7[%add3A_46, %dma_wait3A_54] : memref<40x128xi32, #tpu.memory_space<vmem>> -> memref<1x128xi32, #tpu.memory_space<vmem>>
      %dma_wait3A_56 = tpu.memref_squeeze %dma_wait3A_55 : memref<1x128xi32, #tpu.memory_space<vmem>> -> memref<128xi32, #tpu.memory_space<vmem>>
      %dma_wait3A_57 = arith.constant 0 : i32
      %dma_wait3A_58 = arith.constant 0 : i32
      %dma_wait3A_59 = tpu.memref_slice %arg2[%dma_wait3A_57, %dma_wait3A_58] : memref<10112x128xf32, #tpu.memory_space<hbm>> -> memref<10112x128xf32, #tpu.memory_space<hbm>>
      tpu.wait_indirect_dma semaphore(%arg13 : memref<!tpu.dma_semaphore, #tpu.memory_space<semaphore_mem>>) src(%dma_wait3A_59 : memref<10112x128xf32, #tpu.memory_space<hbm>>) dst(%arg10 : memref<128x128xf32, #tpu.memory_space<vmem>>)
      "tpu.region"() ({
        %run_scoped3A = tpu.sem_alloc : memref<!tpu.dma_semaphore, #tpu.memory_space<semaphore_mem>>
        %dma_start3A_65 = arith.constant 0 : i32
        %dma_start3A_66 = tpu.memref_slice %arg8[%add3A_46, %dma_start3A_65] : memref<40x128xi32, #tpu.memory_space<vmem>> -> memref<1x128xi32, #tpu.memory_space<vmem>>
        %dma_start3A_67 = tpu.memref_squeeze %dma_start3A_66 : memref<1x128xi32, #tpu.memory_space<vmem>> -> memref<128xi32, #tpu.memory_space<vmem>>
        %dma_start3A_68 = arith.constant 0 : i32
        %dma_start3A_69 = arith.constant 0 : i32
        %dma_start3A_70 = tpu.memref_slice %arg11[%dma_start3A_68, %dma_start3A_69] : memref<10112x128xf32, #tpu.memory_space<vmem_shared>> -> memref<10112x128xf32, #tpu.memory_space<vmem_shared>>
        tpu.enqueue_indirect_dma source(%arg10 : memref<128x128xf32, #tpu.memory_space<vmem>>) target(%dma_start3A_70 : memref<10112x128xf32, #tpu.memory_space<vmem_shared>>) offsets(%dma_start3A_67 : memref<128xi32, #tpu.memory_space<vmem>>) semaphore(%run_scoped3A : memref<!tpu.dma_semaphore, #tpu.memory_space<semaphore_mem>>) {add = true}
        %dma_wait3A_71 = arith.constant 0 : i32
        %dma_wait3A_72 = tpu.memref_slice %arg8[%add3A_46, %dma_wait3A_71] : memref<40x128xi32, #tpu.memory_space<vmem>> -> memref<1x128xi32, #tpu.memory_space<vmem>>
        %dma_wait3A_73 = tpu.memref_squeeze %dma_wait3A_72 : memref<1x128xi32, #tpu.memory_space<vmem>> -> memref<128xi32, #tpu.memory_space<vmem>>
        %dma_wait3A_74 = arith.constant 0 : i32
        %dma_wait3A_75 = arith.constant 0 : i32
        %dma_wait3A_76 = tpu.memref_slice %arg11[%dma_wait3A_74, %dma_wait3A_75] : memref<10112x128xf32, #tpu.memory_space<vmem_shared>> -> memref<10112x128xf32, #tpu.memory_space<vmem_shared>>
        tpu.wait_indirect_dma semaphore(%run_scoped3A : memref<!tpu.dma_semaphore, #tpu.memory_space<semaphore_mem>>) src(%arg10 : memref<128x128xf32, #tpu.memory_space<vmem>>) dst(%dma_wait3A_76 : memref<10112x128xf32, #tpu.memory_space<vmem_shared>>)
        tpu.yield
      }) : () -> ()
      %lt3A_60 = arith.constant 19 : i32
      %lt3A_61 = arith.cmpi slt, %scan3A_42, %lt3A_60 : i32
      %convert_element_type3A_62 = arith.extui %lt3A_61 : i1 to i32
      %cond3A_63 = arith.constant 0 : i32
      %cond3A_64 = arith.cmpi ne, %convert_element_type3A_62, %cond3A_63 : i32
      scf.if %cond3A_64 {
        %add3A_65 = arith.constant 2 : i32
        %add3A_66 = arith.addi %add3A_46, %add3A_65 : i32
        %dma_start3A_67 = arith.constant 0 : i32
        %dma_start3A_68 = tpu.memref_slice %arg7[%add3A_66, %dma_start3A_67] : memref<40x128xi32, #tpu.memory_space<vmem>> -> memref<1x128xi32, #tpu.memory_space<vmem>>
        %dma_start3A_69 = tpu.memref_squeeze %dma_start3A_68 : memref<1x128xi32, #tpu.memory_space<vmem>> -> memref<128xi32, #tpu.memory_space<vmem>>
        %dma_start3A_70 = arith.constant 0 : i32
        %dma_start3A_71 = arith.constant 0 : i32
        %dma_start3A_72 = tpu.memref_slice %arg2[%dma_start3A_70, %dma_start3A_71] : memref<10112x128xf32, #tpu.memory_space<hbm>> -> memref<10112x128xf32, #tpu.memory_space<hbm>>
        tpu.enqueue_indirect_dma source(%dma_start3A_72 : memref<10112x128xf32, #tpu.memory_space<hbm>>) target(%arg10 : memref<128x128xf32, #tpu.memory_space<vmem>>) offsets(%dma_start3A_69 : memref<128xi32, #tpu.memory_space<vmem>>) semaphore(%arg13 : memref<!tpu.dma_semaphore, #tpu.memory_space<semaphore_mem>>)
      } else {
      }
    }
    %scan3A_20 = arith.constant 20 : i32
    "tpu.region"() ({
      %run_scoped3A = tpu.sem_alloc : memref<!tpu.dma_semaphore, #tpu.memory_space<semaphore_mem>>
      %dma_start3A_42 = arith.constant 40 : i32
      %dma_start3A_43 = arith.constant 0 : i32
      %dma_start3A_44 = tpu.memref_slice %arg3[%add3A, %dma_start3A_42, %dma_start3A_43] : memref<32x80x128xi32, #tpu.memory_space<hbm>> -> memref<1x40x128xi32, #tpu.memory_space<hbm>>
      %dma_start3A_45 = tpu.memref_squeeze %dma_start3A_44 : memref<1x40x128xi32, #tpu.memory_space<hbm>> -> memref<40x128xi32, #tpu.memory_space<hbm>>
      %dma_start3A_46 = arith.constant 40 : i32
      %dma_start3A_47 = arith.constant 0 : i32
      %dma_start3A_48 = tpu.memref_slice %arg3[%add3A, %dma_start3A_46, %dma_start3A_47] : memref<32x80x128xi32, #tpu.memory_space<hbm>> -> memref<1x40x128xi32, #tpu.memory_space<hbm>>
      %dma_start3A_49 = tpu.memref_squeeze %dma_start3A_48 : memref<1x40x128xi32, #tpu.memory_space<hbm>> -> memref<40x128xi32, #tpu.memory_space<hbm>>
      tpu.enqueue_dma source(%dma_start3A_49 : memref<40x128xi32, #tpu.memory_space<hbm>>) target(%arg7 : memref<40x128xi32, #tpu.memory_space<vmem>>) target_semaphore(%run_scoped3A : memref<!tpu.dma_semaphore, #tpu.memory_space<semaphore_mem>>)
      %dma_wait3A = arith.constant 40 : i32
      %dma_wait3A_50 = arith.constant 0 : i32
      %dma_wait3A_51 = tpu.memref_slice %arg3[%add3A, %dma_wait3A, %dma_wait3A_50] : memref<32x80x128xi32, #tpu.memory_space<hbm>> -> memref<1x40x128xi32, #tpu.memory_space<hbm>>
      %dma_wait3A_52 = tpu.memref_squeeze %dma_wait3A_51 : memref<1x40x128xi32, #tpu.memory_space<hbm>> -> memref<40x128xi32, #tpu.memory_space<hbm>>
      %dma_wait3A_53 = arith.constant 40 : i32
      %dma_wait3A_54 = arith.constant 0 : i32
      %dma_wait3A_55 = tpu.memref_slice %arg3[%add3A, %dma_wait3A_53, %dma_wait3A_54] : memref<32x80x128xi32, #tpu.memory_space<hbm>> -> memref<1x40x128xi32, #tpu.memory_space<hbm>>
      %dma_wait3A_56 = tpu.memref_squeeze %dma_wait3A_55 : memref<1x40x128xi32, #tpu.memory_space<hbm>> -> memref<40x128xi32, #tpu.memory_space<hbm>>
      tpu.wait_dma2 semaphore(%run_scoped3A : memref<!tpu.dma_semaphore, #tpu.memory_space<semaphore_mem>>) src(%dma_wait3A_56 : memref<40x128xi32, #tpu.memory_space<hbm>>) dst(%arg7 : memref<40x128xi32, #tpu.memory_space<vmem>>)
      tpu.yield
    }) : () -> ()
    "tpu.region"() ({
      %run_scoped3A = tpu.sem_alloc : memref<!tpu.dma_semaphore, #tpu.memory_space<semaphore_mem>>
      %dma_start3A_42 = arith.constant 40 : i32
      %dma_start3A_43 = arith.constant 0 : i32
      %dma_start3A_44 = tpu.memref_slice %arg4[%add3A, %dma_start3A_42, %dma_start3A_43] : memref<32x80x128xi32, #tpu.memory_space<hbm>> -> memref<1x40x128xi32, #tpu.memory_space<hbm>>
      %dma_start3A_45 = tpu.memref_squeeze %dma_start3A_44 : memref<1x40x128xi32, #tpu.memory_space<hbm>> -> memref<40x128xi32, #tpu.memory_space<hbm>>
      %dma_start3A_46 = arith.constant 40 : i32
      %dma_start3A_47 = arith.constant 0 : i32
      %dma_start3A_48 = tpu.memref_slice %arg4[%add3A, %dma_start3A_46, %dma_start3A_47] : memref<32x80x128xi32, #tpu.memory_space<hbm>> -> memref<1x40x128xi32, #tpu.memory_space<hbm>>
      %dma_start3A_49 = tpu.memref_squeeze %dma_start3A_48 : memref<1x40x128xi32, #tpu.memory_space<hbm>> -> memref<40x128xi32, #tpu.memory_space<hbm>>
      tpu.enqueue_dma source(%dma_start3A_49 : memref<40x128xi32, #tpu.memory_space<hbm>>) target(%arg8 : memref<40x128xi32, #tpu.memory_space<vmem>>) target_semaphore(%run_scoped3A : memref<!tpu.dma_semaphore, #tpu.memory_space<semaphore_mem>>)
      %dma_wait3A = arith.constant 40 : i32
      %dma_wait3A_50 = arith.constant 0 : i32
      %dma_wait3A_51 = tpu.memref_slice %arg4[%add3A, %dma_wait3A, %dma_wait3A_50] : memref<32x80x128xi32, #tpu.memory_space<hbm>> -> memref<1x40x128xi32, #tpu.memory_space<hbm>>
      %dma_wait3A_52 = tpu.memref_squeeze %dma_wait3A_51 : memref<1x40x128xi32, #tpu.memory_space<hbm>> -> memref<40x128xi32, #tpu.memory_space<hbm>>
      %dma_wait3A_53 = arith.constant 40 : i32
      %dma_wait3A_54 = arith.constant 0 : i32
      %dma_wait3A_55 = tpu.memref_slice %arg4[%add3A, %dma_wait3A_53, %dma_wait3A_54] : memref<32x80x128xi32, #tpu.memory_space<hbm>> -> memref<1x40x128xi32, #tpu.memory_space<hbm>>
      %dma_wait3A_56 = tpu.memref_squeeze %dma_wait3A_55 : memref<1x40x128xi32, #tpu.memory_space<hbm>> -> memref<40x128xi32, #tpu.memory_space<hbm>>
      tpu.wait_dma2 semaphore(%run_scoped3A : memref<!tpu.dma_semaphore, #tpu.memory_space<semaphore_mem>>) src(%dma_wait3A_56 : memref<40x128xi32, #tpu.memory_space<hbm>>) dst(%arg8 : memref<40x128xi32, #tpu.memory_space<vmem>>)
      tpu.yield
    }) : () -> ()
    %dma_start3A_21 = arith.constant 0 : i32
    %dma_start3A_22 = arith.constant 0 : i32
    %dma_start3A_23 = tpu.memref_slice %arg7[%dma_start3A_21, %dma_start3A_22] : memref<40x128xi32, #tpu.memory_space<vmem>> -> memref<1x128xi32, #tpu.memory_space<vmem>>
    %dma_start3A_24 = tpu.memref_squeeze %dma_start3A_23 : memref<1x128xi32, #tpu.memory_space<vmem>> -> memref<128xi32, #tpu.memory_space<vmem>>
    %dma_start3A_25 = arith.constant 0 : i32
    %dma_start3A_26 = arith.constant 0 : i32
    %dma_start3A_27 = tpu.memref_slice %arg2[%dma_start3A_25, %dma_start3A_26] : memref<10112x128xf32, #tpu.memory_space<hbm>> -> memref<10112x128xf32, #tpu.memory_space<hbm>>
    tpu.enqueue_indirect_dma source(%dma_start3A_27 : memref<10112x128xf32, #tpu.memory_space<hbm>>) target(%arg9 : memref<128x128xf32, #tpu.memory_space<vmem>>) offsets(%dma_start3A_24 : memref<128xi32, #tpu.memory_space<vmem>>) semaphore(%arg12 : memref<!tpu.dma_semaphore, #tpu.memory_space<semaphore_mem>>)
    %dma_start3A_28 = arith.constant 1 : i32
    %dma_start3A_29 = arith.constant 0 : i32
    %dma_start3A_30 = tpu.memref_slice %arg7[%dma_start3A_28, %dma_start3A_29] : memref<40x128xi32, #tpu.memory_space<vmem>> -> memref<1x128xi32, #tpu.memory_space<vmem>>
    %dma_start3A_31 = tpu.memref_squeeze %dma_start3A_30 : memref<1x128xi32, #tpu.memory_space<vmem>> -> memref<128xi32, #tpu.memory_space<vmem>>
    %dma_start3A_32 = arith.constant 0 : i32
    %dma_start3A_33 = arith.constant 0 : i32
    %dma_start3A_34 = tpu.memref_slice %arg2[%dma_start3A_32, %dma_start3A_33] : memref<10112x128xf32, #tpu.memory_space<hbm>> -> memref<10112x128xf32, #tpu.memory_space<hbm>>
    tpu.enqueue_indirect_dma source(%dma_start3A_34 : memref<10112x128xf32, #tpu.memory_space<hbm>>) target(%arg10 : memref<128x128xf32, #tpu.memory_space<vmem>>) offsets(%dma_start3A_31 : memref<128xi32, #tpu.memory_space<vmem>>) semaphore(%arg13 : memref<!tpu.dma_semaphore, #tpu.memory_space<semaphore_mem>>)
    %scan3A_35 = arith.constant 0 : i32
    %scan3A_36 = arith.constant 0 : i32
    %scan3A_37 = arith.constant 20 : i32
    %scan3A_38 = arith.addi %scan3A_36, %scan3A_37 : i32
    %scan3A_39 = arith.constant 1 : i32
    scf.for %scan3A_42 = %scan3A_36 to %scan3A_38 step %scan3A_39  : i32 {
      %mul3A_43 = arith.constant 2 : i32
      %mul3A_44 = arith.muli %mul3A_43, %scan3A_42 : i32
      %add3A_45 = arith.constant 1 : i32
      %add3A_46 = arith.addi %mul3A_44, %add3A_45 : i32
      %dma_wait3A = arith.constant 0 : i32
      %dma_wait3A_47 = tpu.memref_slice %arg7[%mul3A_44, %dma_wait3A] : memref<40x128xi32, #tpu.memory_space<vmem>> -> memref<1x128xi32, #tpu.memory_space<vmem>>
      %dma_wait3A_48 = tpu.memref_squeeze %dma_wait3A_47 : memref<1x128xi32, #tpu.memory_space<vmem>> -> memref<128xi32, #tpu.memory_space<vmem>>
      %dma_wait3A_49 = arith.constant 0 : i32
      %dma_wait3A_50 = arith.constant 0 : i32
      %dma_wait3A_51 = tpu.memref_slice %arg2[%dma_wait3A_49, %dma_wait3A_50] : memref<10112x128xf32, #tpu.memory_space<hbm>> -> memref<10112x128xf32, #tpu.memory_space<hbm>>
      tpu.wait_indirect_dma semaphore(%arg12 : memref<!tpu.dma_semaphore, #tpu.memory_space<semaphore_mem>>) src(%dma_wait3A_51 : memref<10112x128xf32, #tpu.memory_space<hbm>>) dst(%arg9 : memref<128x128xf32, #tpu.memory_space<vmem>>)
      "tpu.region"() ({
        %run_scoped3A = tpu.sem_alloc : memref<!tpu.dma_semaphore, #tpu.memory_space<semaphore_mem>>
        %dma_start3A_65 = arith.constant 0 : i32
        %dma_start3A_66 = tpu.memref_slice %arg8[%mul3A_44, %dma_start3A_65] : memref<40x128xi32, #tpu.memory_space<vmem>> -> memref<1x128xi32, #tpu.memory_space<vmem>>
        %dma_start3A_67 = tpu.memref_squeeze %dma_start3A_66 : memref<1x128xi32, #tpu.memory_space<vmem>> -> memref<128xi32, #tpu.memory_space<vmem>>
        %dma_start3A_68 = arith.constant 0 : i32
        %dma_start3A_69 = arith.constant 0 : i32
        %dma_start3A_70 = tpu.memref_slice %arg11[%dma_start3A_68, %dma_start3A_69] : memref<10112x128xf32, #tpu.memory_space<vmem_shared>> -> memref<10112x128xf32, #tpu.memory_space<vmem_shared>>
        tpu.enqueue_indirect_dma source(%arg9 : memref<128x128xf32, #tpu.memory_space<vmem>>) target(%dma_start3A_70 : memref<10112x128xf32, #tpu.memory_space<vmem_shared>>) offsets(%dma_start3A_67 : memref<128xi32, #tpu.memory_space<vmem>>) semaphore(%run_scoped3A : memref<!tpu.dma_semaphore, #tpu.memory_space<semaphore_mem>>) {add = true}
        %dma_wait3A_71 = arith.constant 0 : i32
        %dma_wait3A_72 = tpu.memref_slice %arg8[%mul3A_44, %dma_wait3A_71] : memref<40x128xi32, #tpu.memory_space<vmem>> -> memref<1x128xi32, #tpu.memory_space<vmem>>
        %dma_wait3A_73 = tpu.memref_squeeze %dma_wait3A_72 : memref<1x128xi32, #tpu.memory_space<vmem>> -> memref<128xi32, #tpu.memory_space<vmem>>
        %dma_wait3A_74 = arith.constant 0 : i32
        %dma_wait3A_75 = arith.constant 0 : i32
        %dma_wait3A_76 = tpu.memref_slice %arg11[%dma_wait3A_74, %dma_wait3A_75] : memref<10112x128xf32, #tpu.memory_space<vmem_shared>> -> memref<10112x128xf32, #tpu.memory_space<vmem_shared>>
        tpu.wait_indirect_dma semaphore(%run_scoped3A : memref<!tpu.dma_semaphore, #tpu.memory_space<semaphore_mem>>) src(%arg9 : memref<128x128xf32, #tpu.memory_space<vmem>>) dst(%dma_wait3A_76 : memref<10112x128xf32, #tpu.memory_space<vmem_shared>>)
        tpu.yield
      }) : () -> ()
      %lt3A = arith.constant 19 : i32
      %lt3A_52 = arith.cmpi slt, %scan3A_42, %lt3A : i32
      %convert_element_type3A = arith.extui %lt3A_52 : i1 to i32
      %cond3A = arith.constant 0 : i32
      %cond3A_53 = arith.cmpi ne, %convert_element_type3A, %cond3A : i32
      scf.if %cond3A_53 {
        %add3A_65 = arith.constant 2 : i32
        %add3A_66 = arith.addi %mul3A_44, %add3A_65 : i32
        %dma_start3A_67 = arith.constant 0 : i32
        %dma_start3A_68 = tpu.memref_slice %arg7[%add3A_66, %dma_start3A_67] : memref<40x128xi32, #tpu.memory_space<vmem>> -> memref<1x128xi32, #tpu.memory_space<vmem>>
        %dma_start3A_69 = tpu.memref_squeeze %dma_start3A_68 : memref<1x128xi32, #tpu.memory_space<vmem>> -> memref<128xi32, #tpu.memory_space<vmem>>
        %dma_start3A_70 = arith.constant 0 : i32
        %dma_start3A_71 = arith.constant 0 : i32
        %dma_start3A_72 = tpu.memref_slice %arg2[%dma_start3A_70, %dma_start3A_71] : memref<10112x128xf32, #tpu.memory_space<hbm>> -> memref<10112x128xf32, #tpu.memory_space<hbm>>
        tpu.enqueue_indirect_dma source(%dma_start3A_72 : memref<10112x128xf32, #tpu.memory_space<hbm>>) target(%arg9 : memref<128x128xf32, #tpu.memory_space<vmem>>) offsets(%dma_start3A_69 : memref<128xi32, #tpu.memory_space<vmem>>) semaphore(%arg12 : memref<!tpu.dma_semaphore, #tpu.memory_space<semaphore_mem>>)
      } else {
      }
      %dma_wait3A_54 = arith.constant 0 : i32
      %dma_wait3A_55 = tpu.memref_slice %arg7[%add3A_46, %dma_wait3A_54] : memref<40x128xi32, #tpu.memory_space<vmem>> -> memref<1x128xi32, #tpu.memory_space<vmem>>
      %dma_wait3A_56 = tpu.memref_squeeze %dma_wait3A_55 : memref<1x128xi32, #tpu.memory_space<vmem>> -> memref<128xi32, #tpu.memory_space<vmem>>
      %dma_wait3A_57 = arith.constant 0 : i32
      %dma_wait3A_58 = arith.constant 0 : i32
      %dma_wait3A_59 = tpu.memref_slice %arg2[%dma_wait3A_57, %dma_wait3A_58] : memref<10112x128xf32, #tpu.memory_space<hbm>> -> memref<10112x128xf32, #tpu.memory_space<hbm>>
      tpu.wait_indirect_dma semaphore(%arg13 : memref<!tpu.dma_semaphore, #tpu.memory_space<semaphore_mem>>) src(%dma_wait3A_59 : memref<10112x128xf32, #tpu.memory_space<hbm>>) dst(%arg10 : memref<128x128xf32, #tpu.memory_space<vmem>>)
      "tpu.region"() ({
        %run_scoped3A = tpu.sem_alloc : memref<!tpu.dma_semaphore, #tpu.memory_space<semaphore_mem>>
        %dma_start3A_65 = arith.constant 0 : i32
        %dma_start3A_66 = tpu.memref_slice %arg8[%add3A_46, %dma_start3A_65] : memref<40x128xi32, #tpu.memory_space<vmem>> -> memref<1x128xi32, #tpu.memory_space<vmem>>
        %dma_start3A_67 = tpu.memref_squeeze %dma_start3A_66 : memref<1x128xi32, #tpu.memory_space<vmem>> -> memref<128xi32, #tpu.memory_space<vmem>>
        %dma_start3A_68 = arith.constant 0 : i32
        %dma_start3A_69 = arith.constant 0 : i32
        %dma_start3A_70 = tpu.memref_slice %arg11[%dma_start3A_68, %dma_start3A_69] : memref<10112x128xf32, #tpu.memory_space<vmem_shared>> -> memref<10112x128xf32, #tpu.memory_space<vmem_shared>>
        tpu.enqueue_indirect_dma source(%arg10 : memref<128x128xf32, #tpu.memory_space<vmem>>) target(%dma_start3A_70 : memref<10112x128xf32, #tpu.memory_space<vmem_shared>>) offsets(%dma_start3A_67 : memref<128xi32, #tpu.memory_space<vmem>>) semaphore(%run_scoped3A : memref<!tpu.dma_semaphore, #tpu.memory_space<semaphore_mem>>) {add = true}
        %dma_wait3A_71 = arith.constant 0 : i32
        %dma_wait3A_72 = tpu.memref_slice %arg8[%add3A_46, %dma_wait3A_71] : memref<40x128xi32, #tpu.memory_space<vmem>> -> memref<1x128xi32, #tpu.memory_space<vmem>>
        %dma_wait3A_73 = tpu.memref_squeeze %dma_wait3A_72 : memref<1x128xi32, #tpu.memory_space<vmem>> -> memref<128xi32, #tpu.memory_space<vmem>>
        %dma_wait3A_74 = arith.constant 0 : i32
        %dma_wait3A_75 = arith.constant 0 : i32
        %dma_wait3A_76 = tpu.memref_slice %arg11[%dma_wait3A_74, %dma_wait3A_75] : memref<10112x128xf32, #tpu.memory_space<vmem_shared>> -> memref<10112x128xf32, #tpu.memory_space<vmem_shared>>
        tpu.wait_indirect_dma semaphore(%run_scoped3A : memref<!tpu.dma_semaphore, #tpu.memory_space<semaphore_mem>>) src(%arg10 : memref<128x128xf32, #tpu.memory_space<vmem>>) dst(%dma_wait3A_76 : memref<10112x128xf32, #tpu.memory_space<vmem_shared>>)
        tpu.yield
      }) : () -> ()
      %lt3A_60 = arith.constant 19 : i32
      %lt3A_61 = arith.cmpi slt, %scan3A_42, %lt3A_60 : i32
      %convert_element_type3A_62 = arith.extui %lt3A_61 : i1 to i32
      %cond3A_63 = arith.constant 0 : i32
      %cond3A_64 = arith.cmpi ne, %convert_element_type3A_62, %cond3A_63 : i32
      scf.if %cond3A_64 {
        %add3A_65 = arith.constant 2 : i32
        %add3A_66 = arith.addi %add3A_46, %add3A_65 : i32
        %dma_start3A_67 = arith.constant 0 : i32
        %dma_start3A_68 = tpu.memref_slice %arg7[%add3A_66, %dma_start3A_67] : memref<40x128xi32, #tpu.memory_space<vmem>> -> memref<1x128xi32, #tpu.memory_space<vmem>>
        %dma_start3A_69 = tpu.memref_squeeze %dma_start3A_68 : memref<1x128xi32, #tpu.memory_space<vmem>> -> memref<128xi32, #tpu.memory_space<vmem>>
        %dma_start3A_70 = arith.constant 0 : i32
        %dma_start3A_71 = arith.constant 0 : i32
        %dma_start3A_72 = tpu.memref_slice %arg2[%dma_start3A_70, %dma_start3A_71] : memref<10112x128xf32, #tpu.memory_space<hbm>> -> memref<10112x128xf32, #tpu.memory_space<hbm>>
        tpu.enqueue_indirect_dma source(%dma_start3A_72 : memref<10112x128xf32, #tpu.memory_space<hbm>>) target(%arg10 : memref<128x128xf32, #tpu.memory_space<vmem>>) offsets(%dma_start3A_69 : memref<128xi32, #tpu.memory_space<vmem>>) semaphore(%arg13 : memref<!tpu.dma_semaphore, #tpu.memory_space<semaphore_mem>>)
      } else {
      }
    }
    %scan3A_40 = arith.constant 20 : i32
    %barrier3A_41 = arith.constant 0 : index
    tpu.barrier barrier_id(%barrier3A_41)
    "tpu.region"() ({
      %run_scoped3A = tpu.sem_alloc : memref<!tpu.dma_semaphore, #tpu.memory_space<semaphore_mem>>
      %dma_start3A_42 = arith.constant 0 : i32
      %dma_start3A_43 = arith.constant 0 : i32
      %dma_start3A_44 = tpu.memref_slice %arg6[%arg0, %dma_start3A_42, %dma_start3A_43] : memref<2x10112x128xf32, #tpu.memory_space<hbm>> -> memref<1x10112x128xf32, #tpu.memory_space<hbm>>
      %dma_start3A_45 = tpu.memref_squeeze %dma_start3A_44 : memref<1x10112x128xf32, #tpu.memory_space<hbm>> -> memref<10112x128xf32, #tpu.memory_space<hbm>>
      %dma_start3A_46 = arith.constant 0 : i32
      %dma_start3A_47 = tpu.memref_slice %dma_start3A_45[%mul3A_2, %dma_start3A_46] : memref<10112x128xf32, #tpu.memory_space<hbm>> -> memref<632x128xf32, #tpu.memory_space<hbm>>
      %dma_start3A_48 = arith.constant 0 : i32
      %dma_start3A_49 = tpu.memref_slice %arg11[%mul3A_2, %dma_start3A_48] : memref<10112x128xf32, #tpu.memory_space<vmem_shared>> -> memref<632x128xf32, #tpu.memory_space<vmem_shared>>
      tpu.enqueue_dma source(%dma_start3A_49 : memref<632x128xf32, #tpu.memory_space<vmem_shared>>) target(%dma_start3A_47 : memref<632x128xf32, #tpu.memory_space<hbm>>) target_semaphore(%run_scoped3A : memref<!tpu.dma_semaphore, #tpu.memory_space<semaphore_mem>>)
      %dma_wait3A = arith.constant 0 : i32
      %dma_wait3A_50 = arith.constant 0 : i32
      %dma_wait3A_51 = tpu.memref_slice %arg6[%arg0, %dma_wait3A, %dma_wait3A_50] : memref<2x10112x128xf32, #tpu.memory_space<hbm>> -> memref<1x10112x128xf32, #tpu.memory_space<hbm>>
      %dma_wait3A_52 = tpu.memref_squeeze %dma_wait3A_51 : memref<1x10112x128xf32, #tpu.memory_space<hbm>> -> memref<10112x128xf32, #tpu.memory_space<hbm>>
      %dma_wait3A_53 = arith.constant 0 : i32
      %dma_wait3A_54 = tpu.memref_slice %dma_wait3A_52[%mul3A_2, %dma_wait3A_53] : memref<10112x128xf32, #tpu.memory_space<hbm>> -> memref<632x128xf32, #tpu.memory_space<hbm>>
      %dma_wait3A_55 = arith.constant 0 : i32
      %dma_wait3A_56 = tpu.memref_slice %arg11[%mul3A_2, %dma_wait3A_55] : memref<10112x128xf32, #tpu.memory_space<vmem_shared>> -> memref<632x128xf32, #tpu.memory_space<vmem_shared>>
      tpu.wait_dma2 semaphore(%run_scoped3A : memref<!tpu.dma_semaphore, #tpu.memory_space<semaphore_mem>>) src(%dma_wait3A_56 : memref<632x128xf32, #tpu.memory_space<vmem_shared>>) dst(%dma_wait3A_54 : memref<632x128xf32, #tpu.memory_space<hbm>>)
      tpu.yield
    }) : () -> ()
    return
  }
}

#map = affine_map<(d0, d1) -> (0, 0, 0)>
#map1 = affine_map<(d0, d1) -> (0)>
#map2 = affine_map<(d0, d1) -> (0, 0)>
module attributes {stable_mosaic.version = 14 : i64} {
  func.func @hist(%arg0: i32, %arg1: i32, %arg2: memref<32x80x128xi32, #tpu.memory_space<hbm>>, %arg3: memref<32x80x128xi32, #tpu.memory_space<hbm>>, %arg4: memref<10112xf32, #tpu.memory_space<hbm>>, %arg5: memref<32x10112xf32, #tpu.memory_space<hbm>>, %arg6: memref<32x10112xf32, #tpu.memory_space<hbm>>, %arg7: memref<80x128xi32, #tpu.memory_space<vmem>>, %arg8: memref<80x128xi32, #tpu.memory_space<vmem>>, %arg9: memref<10112xf32, #tpu.memory_space<vmem>>, %arg10: memref<10112xf32, #tpu.memory_space<vmem>>) attributes {dimension_semantics = [#tpu.dimension_semantics<core_parallel>, #tpu.dimension_semantics<subcore_parallel>], iteration_bounds = array<i64: 2, 16>, scalar_prefetch = 0 : i64, scratch_operands = 4 : i64, tpu.core_type = #tpu.core_type<sc_vector_subcore>, window_params = [{transform_indices = #map}, {transform_indices = #map}, {transform_indices = #map1}, {transform_indices = #map2}, {transform_indices = #map2}]} {
    %mul3A = arith.constant 16 : i32
    %mul3A_0 = arith.muli %arg0, %mul3A : i32
    %add3A = arith.addi %mul3A_0, %arg1 : i32
    "tpu.region"() ({
      %run_scoped3A = tpu.sem_alloc : memref<!tpu.dma_semaphore, #tpu.memory_space<semaphore_mem>>
      tpu.enqueue_dma source(%arg4 : memref<10112xf32, #tpu.memory_space<hbm>>) target(%arg9 : memref<10112xf32, #tpu.memory_space<vmem>>) target_semaphore(%run_scoped3A : memref<!tpu.dma_semaphore, #tpu.memory_space<semaphore_mem>>)
      tpu.wait_dma2 semaphore(%run_scoped3A : memref<!tpu.dma_semaphore, #tpu.memory_space<semaphore_mem>>) src(%arg4 : memref<10112xf32, #tpu.memory_space<hbm>>) dst(%arg9 : memref<10112xf32, #tpu.memory_space<vmem>>)
      tpu.yield
    }) : () -> ()
    "tpu.region"() ({
      %run_scoped3A = tpu.sem_alloc : memref<!tpu.dma_semaphore, #tpu.memory_space<semaphore_mem>>
      tpu.enqueue_dma source(%arg4 : memref<10112xf32, #tpu.memory_space<hbm>>) target(%arg10 : memref<10112xf32, #tpu.memory_space<vmem>>) target_semaphore(%run_scoped3A : memref<!tpu.dma_semaphore, #tpu.memory_space<semaphore_mem>>)
      tpu.wait_dma2 semaphore(%run_scoped3A : memref<!tpu.dma_semaphore, #tpu.memory_space<semaphore_mem>>) src(%arg4 : memref<10112xf32, #tpu.memory_space<hbm>>) dst(%arg10 : memref<10112xf32, #tpu.memory_space<vmem>>)
      tpu.yield
    }) : () -> ()
    "tpu.region"() ({
      %run_scoped3A = tpu.sem_alloc : memref<!tpu.dma_semaphore, #tpu.memory_space<semaphore_mem>>
      %dma_start3A = arith.constant 0 : i32
      %dma_start3A_7 = arith.constant 0 : i32
      %dma_start3A_8 = tpu.memref_slice %arg2[%add3A, %dma_start3A, %dma_start3A_7] : memref<32x80x128xi32, #tpu.memory_space<hbm>> -> memref<1x80x128xi32, #tpu.memory_space<hbm>>
      %dma_start3A_9 = tpu.memref_squeeze %dma_start3A_8 : memref<1x80x128xi32, #tpu.memory_space<hbm>> -> memref<80x128xi32, #tpu.memory_space<hbm>>
      %dma_start3A_10 = arith.constant 0 : i32
      %dma_start3A_11 = arith.constant 0 : i32
      %dma_start3A_12 = tpu.memref_slice %arg2[%add3A, %dma_start3A_10, %dma_start3A_11] : memref<32x80x128xi32, #tpu.memory_space<hbm>> -> memref<1x80x128xi32, #tpu.memory_space<hbm>>
      %dma_start3A_13 = tpu.memref_squeeze %dma_start3A_12 : memref<1x80x128xi32, #tpu.memory_space<hbm>> -> memref<80x128xi32, #tpu.memory_space<hbm>>
      tpu.enqueue_dma source(%dma_start3A_13 : memref<80x128xi32, #tpu.memory_space<hbm>>) target(%arg7 : memref<80x128xi32, #tpu.memory_space<vmem>>) target_semaphore(%run_scoped3A : memref<!tpu.dma_semaphore, #tpu.memory_space<semaphore_mem>>)
      %dma_wait3A = arith.constant 0 : i32
      %dma_wait3A_14 = arith.constant 0 : i32
      %dma_wait3A_15 = tpu.memref_slice %arg2[%add3A, %dma_wait3A, %dma_wait3A_14] : memref<32x80x128xi32, #tpu.memory_space<hbm>> -> memref<1x80x128xi32, #tpu.memory_space<hbm>>
      %dma_wait3A_16 = tpu.memref_squeeze %dma_wait3A_15 : memref<1x80x128xi32, #tpu.memory_space<hbm>> -> memref<80x128xi32, #tpu.memory_space<hbm>>
      %dma_wait3A_17 = arith.constant 0 : i32
      %dma_wait3A_18 = arith.constant 0 : i32
      %dma_wait3A_19 = tpu.memref_slice %arg2[%add3A, %dma_wait3A_17, %dma_wait3A_18] : memref<32x80x128xi32, #tpu.memory_space<hbm>> -> memref<1x80x128xi32, #tpu.memory_space<hbm>>
      %dma_wait3A_20 = tpu.memref_squeeze %dma_wait3A_19 : memref<1x80x128xi32, #tpu.memory_space<hbm>> -> memref<80x128xi32, #tpu.memory_space<hbm>>
      tpu.wait_dma2 semaphore(%run_scoped3A : memref<!tpu.dma_semaphore, #tpu.memory_space<semaphore_mem>>) src(%dma_wait3A_20 : memref<80x128xi32, #tpu.memory_space<hbm>>) dst(%arg7 : memref<80x128xi32, #tpu.memory_space<vmem>>)
      tpu.yield
    }) : () -> ()
    "tpu.region"() ({
      %run_scoped3A = tpu.sem_alloc : memref<!tpu.dma_semaphore, #tpu.memory_space<semaphore_mem>>
      %dma_start3A = arith.constant 0 : i32
      %dma_start3A_7 = arith.constant 0 : i32
      %dma_start3A_8 = tpu.memref_slice %arg3[%add3A, %dma_start3A, %dma_start3A_7] : memref<32x80x128xi32, #tpu.memory_space<hbm>> -> memref<1x80x128xi32, #tpu.memory_space<hbm>>
      %dma_start3A_9 = tpu.memref_squeeze %dma_start3A_8 : memref<1x80x128xi32, #tpu.memory_space<hbm>> -> memref<80x128xi32, #tpu.memory_space<hbm>>
      %dma_start3A_10 = arith.constant 0 : i32
      %dma_start3A_11 = arith.constant 0 : i32
      %dma_start3A_12 = tpu.memref_slice %arg3[%add3A, %dma_start3A_10, %dma_start3A_11] : memref<32x80x128xi32, #tpu.memory_space<hbm>> -> memref<1x80x128xi32, #tpu.memory_space<hbm>>
      %dma_start3A_13 = tpu.memref_squeeze %dma_start3A_12 : memref<1x80x128xi32, #tpu.memory_space<hbm>> -> memref<80x128xi32, #tpu.memory_space<hbm>>
      tpu.enqueue_dma source(%dma_start3A_13 : memref<80x128xi32, #tpu.memory_space<hbm>>) target(%arg8 : memref<80x128xi32, #tpu.memory_space<vmem>>) target_semaphore(%run_scoped3A : memref<!tpu.dma_semaphore, #tpu.memory_space<semaphore_mem>>)
      %dma_wait3A = arith.constant 0 : i32
      %dma_wait3A_14 = arith.constant 0 : i32
      %dma_wait3A_15 = tpu.memref_slice %arg3[%add3A, %dma_wait3A, %dma_wait3A_14] : memref<32x80x128xi32, #tpu.memory_space<hbm>> -> memref<1x80x128xi32, #tpu.memory_space<hbm>>
      %dma_wait3A_16 = tpu.memref_squeeze %dma_wait3A_15 : memref<1x80x128xi32, #tpu.memory_space<hbm>> -> memref<80x128xi32, #tpu.memory_space<hbm>>
      %dma_wait3A_17 = arith.constant 0 : i32
      %dma_wait3A_18 = arith.constant 0 : i32
      %dma_wait3A_19 = tpu.memref_slice %arg3[%add3A, %dma_wait3A_17, %dma_wait3A_18] : memref<32x80x128xi32, #tpu.memory_space<hbm>> -> memref<1x80x128xi32, #tpu.memory_space<hbm>>
      %dma_wait3A_20 = tpu.memref_squeeze %dma_wait3A_19 : memref<1x80x128xi32, #tpu.memory_space<hbm>> -> memref<80x128xi32, #tpu.memory_space<hbm>>
      tpu.wait_dma2 semaphore(%run_scoped3A : memref<!tpu.dma_semaphore, #tpu.memory_space<semaphore_mem>>) src(%dma_wait3A_20 : memref<80x128xi32, #tpu.memory_space<hbm>>) dst(%arg8 : memref<80x128xi32, #tpu.memory_space<vmem>>)
      tpu.yield
    }) : () -> ()
    %broadcast_in_dim3A = arith.constant 1.000000e+00 : f32
    %broadcast_in_dim3A_1 = vector.broadcast %broadcast_in_dim3A : f32 to vector<16xf32>
    %scan3A = arith.constant 0 : i32
    %scan3A_2 = arith.constant 0 : i32
    %scan3A_3 = arith.constant 80 : i32
    %scan3A_4 = arith.addi %scan3A_2, %scan3A_3 : i32
    %scan3A_5 = arith.constant 1 : i32
    scf.for %scan3A_7 = %scan3A_2 to %scan3A_4 step %scan3A_5  : i32 {
      %get3A = arith.index_cast %scan3A_7 : i32 to index
      %get3A_8 = arith.constant 0 : index
      %get3A_9 = tpu.vector_load %arg7[%get3A, %get3A_8] {strides = array<i32>} : memref<80x128xi32, #tpu.memory_space<vmem>>, vector<16xi32>,
      tpu.vector_store_idx %arg9[%get3A_9], %broadcast_in_dim3A_1 {add = true} : memref<10112xf32, #tpu.memory_space<vmem>>[vector<16xi32>], vector<16xf32>,
      %get3A_10 = arith.index_cast %scan3A_7 : i32 to index
      %get3A_11 = arith.constant 0 : index
      %get3A_12 = tpu.vector_load %arg8[%get3A_10, %get3A_11] {strides = array<i32>} : memref<80x128xi32, #tpu.memory_space<vmem>>, vector<16xi32>,
      tpu.vector_store_idx %arg10[%get3A_12], %broadcast_in_dim3A_1 {add = true} : memref<10112xf32, #tpu.memory_space<vmem>>[vector<16xi32>], vector<16xf32>,
      %get3A_13 = arith.index_cast %scan3A_7 : i32 to index
      %get3A_14 = arith.constant 16 : index
      %get3A_15 = tpu.vector_load %arg7[%get3A_13, %get3A_14] {strides = array<i32>} : memref<80x128xi32, #tpu.memory_space<vmem>>, vector<16xi32>,
      tpu.vector_store_idx %arg9[%get3A_15], %broadcast_in_dim3A_1 {add = true} : memref<10112xf32, #tpu.memory_space<vmem>>[vector<16xi32>], vector<16xf32>,
      %get3A_16 = arith.index_cast %scan3A_7 : i32 to index
      %get3A_17 = arith.constant 16 : index
      %get3A_18 = tpu.vector_load %arg8[%get3A_16, %get3A_17] {strides = array<i32>} : memref<80x128xi32, #tpu.memory_space<vmem>>, vector<16xi32>,
      tpu.vector_store_idx %arg10[%get3A_18], %broadcast_in_dim3A_1 {add = true} : memref<10112xf32, #tpu.memory_space<vmem>>[vector<16xi32>], vector<16xf32>,
      %get3A_19 = arith.index_cast %scan3A_7 : i32 to index
      %get3A_20 = arith.constant 32 : index
      %get3A_21 = tpu.vector_load %arg7[%get3A_19, %get3A_20] {strides = array<i32>} : memref<80x128xi32, #tpu.memory_space<vmem>>, vector<16xi32>,
      tpu.vector_store_idx %arg9[%get3A_21], %broadcast_in_dim3A_1 {add = true} : memref<10112xf32, #tpu.memory_space<vmem>>[vector<16xi32>], vector<16xf32>,
      %get3A_22 = arith.index_cast %scan3A_7 : i32 to index
      %get3A_23 = arith.constant 32 : index
      %get3A_24 = tpu.vector_load %arg8[%get3A_22, %get3A_23] {strides = array<i32>} : memref<80x128xi32, #tpu.memory_space<vmem>>, vector<16xi32>,
      tpu.vector_store_idx %arg10[%get3A_24], %broadcast_in_dim3A_1 {add = true} : memref<10112xf32, #tpu.memory_space<vmem>>[vector<16xi32>], vector<16xf32>,
      %get3A_25 = arith.index_cast %scan3A_7 : i32 to index
      %get3A_26 = arith.constant 48 : index
      %get3A_27 = tpu.vector_load %arg7[%get3A_25, %get3A_26] {strides = array<i32>} : memref<80x128xi32, #tpu.memory_space<vmem>>, vector<16xi32>,
      tpu.vector_store_idx %arg9[%get3A_27], %broadcast_in_dim3A_1 {add = true} : memref<10112xf32, #tpu.memory_space<vmem>>[vector<16xi32>], vector<16xf32>,
      %get3A_28 = arith.index_cast %scan3A_7 : i32 to index
      %get3A_29 = arith.constant 48 : index
      %get3A_30 = tpu.vector_load %arg8[%get3A_28, %get3A_29] {strides = array<i32>} : memref<80x128xi32, #tpu.memory_space<vmem>>, vector<16xi32>,
      tpu.vector_store_idx %arg10[%get3A_30], %broadcast_in_dim3A_1 {add = true} : memref<10112xf32, #tpu.memory_space<vmem>>[vector<16xi32>], vector<16xf32>,
      %get3A_31 = arith.index_cast %scan3A_7 : i32 to index
      %get3A_32 = arith.constant 64 : index
      %get3A_33 = tpu.vector_load %arg7[%get3A_31, %get3A_32] {strides = array<i32>} : memref<80x128xi32, #tpu.memory_space<vmem>>, vector<16xi32>,
      tpu.vector_store_idx %arg9[%get3A_33], %broadcast_in_dim3A_1 {add = true} : memref<10112xf32, #tpu.memory_space<vmem>>[vector<16xi32>], vector<16xf32>,
      %get3A_34 = arith.index_cast %scan3A_7 : i32 to index
      %get3A_35 = arith.constant 64 : index
      %get3A_36 = tpu.vector_load %arg8[%get3A_34, %get3A_35] {strides = array<i32>} : memref<80x128xi32, #tpu.memory_space<vmem>>, vector<16xi32>,
      tpu.vector_store_idx %arg10[%get3A_36], %broadcast_in_dim3A_1 {add = true} : memref<10112xf32, #tpu.memory_space<vmem>>[vector<16xi32>], vector<16xf32>,
      %get3A_37 = arith.index_cast %scan3A_7 : i32 to index
      %get3A_38 = arith.constant 80 : index
      %get3A_39 = tpu.vector_load %arg7[%get3A_37, %get3A_38] {strides = array<i32>} : memref<80x128xi32, #tpu.memory_space<vmem>>, vector<16xi32>,
      tpu.vector_store_idx %arg9[%get3A_39], %broadcast_in_dim3A_1 {add = true} : memref<10112xf32, #tpu.memory_space<vmem>>[vector<16xi32>], vector<16xf32>,
      %get3A_40 = arith.index_cast %scan3A_7 : i32 to index
      %get3A_41 = arith.constant 80 : index
      %get3A_42 = tpu.vector_load %arg8[%get3A_40, %get3A_41] {strides = array<i32>} : memref<80x128xi32, #tpu.memory_space<vmem>>, vector<16xi32>,
      tpu.vector_store_idx %arg10[%get3A_42], %broadcast_in_dim3A_1 {add = true} : memref<10112xf32, #tpu.memory_space<vmem>>[vector<16xi32>], vector<16xf32>,
      %get3A_43 = arith.index_cast %scan3A_7 : i32 to index
      %get3A_44 = arith.constant 96 : index
      %get3A_45 = tpu.vector_load %arg7[%get3A_43, %get3A_44] {strides = array<i32>} : memref<80x128xi32, #tpu.memory_space<vmem>>, vector<16xi32>,
      tpu.vector_store_idx %arg9[%get3A_45], %broadcast_in_dim3A_1 {add = true} : memref<10112xf32, #tpu.memory_space<vmem>>[vector<16xi32>], vector<16xf32>,
      %get3A_46 = arith.index_cast %scan3A_7 : i32 to index
      %get3A_47 = arith.constant 96 : index
      %get3A_48 = tpu.vector_load %arg8[%get3A_46, %get3A_47] {strides = array<i32>} : memref<80x128xi32, #tpu.memory_space<vmem>>, vector<16xi32>,
      tpu.vector_store_idx %arg10[%get3A_48], %broadcast_in_dim3A_1 {add = true} : memref<10112xf32, #tpu.memory_space<vmem>>[vector<16xi32>], vector<16xf32>,
      %get3A_49 = arith.index_cast %scan3A_7 : i32 to index
      %get3A_50 = arith.constant 112 : index
      %get3A_51 = tpu.vector_load %arg7[%get3A_49, %get3A_50] {strides = array<i32>} : memref<80x128xi32, #tpu.memory_space<vmem>>, vector<16xi32>,
      tpu.vector_store_idx %arg9[%get3A_51], %broadcast_in_dim3A_1 {add = true} : memref<10112xf32, #tpu.memory_space<vmem>>[vector<16xi32>], vector<16xf32>,
      %get3A_52 = arith.index_cast %scan3A_7 : i32 to index
      %get3A_53 = arith.constant 112 : index
      %get3A_54 = tpu.vector_load %arg8[%get3A_52, %get3A_53] {strides = array<i32>} : memref<80x128xi32, #tpu.memory_space<vmem>>, vector<16xi32>,
      tpu.vector_store_idx %arg10[%get3A_54], %broadcast_in_dim3A_1 {add = true} : memref<10112xf32, #tpu.memory_space<vmem>>[vector<16xi32>], vector<16xf32>,
    }
    %scan3A_6 = arith.constant 80 : i32
    "tpu.region"() ({
      %run_scoped3A = tpu.sem_alloc : memref<!tpu.dma_semaphore, #tpu.memory_space<semaphore_mem>>
      %dma_start3A = arith.constant 0 : i32
      %dma_start3A_7 = tpu.memref_slice %arg5[%add3A, %dma_start3A] : memref<32x10112xf32, #tpu.memory_space<hbm>> -> memref<1x10112xf32, #tpu.memory_space<hbm>>
      %dma_start3A_8 = tpu.memref_squeeze %dma_start3A_7 : memref<1x10112xf32, #tpu.memory_space<hbm>> -> memref<10112xf32, #tpu.memory_space<hbm>>
      %dma_start3A_9 = arith.constant 0 : i32
      %dma_start3A_10 = tpu.memref_slice %arg5[%add3A, %dma_start3A_9] : memref<32x10112xf32, #tpu.memory_space<hbm>> -> memref<1x10112xf32, #tpu.memory_space<hbm>>
      %dma_start3A_11 = tpu.memref_squeeze %dma_start3A_10 : memref<1x10112xf32, #tpu.memory_space<hbm>> -> memref<10112xf32, #tpu.memory_space<hbm>>
      tpu.enqueue_dma source(%arg9 : memref<10112xf32, #tpu.memory_space<vmem>>) target(%dma_start3A_11 : memref<10112xf32, #tpu.memory_space<hbm>>) target_semaphore(%run_scoped3A : memref<!tpu.dma_semaphore, #tpu.memory_space<semaphore_mem>>)
      %dma_wait3A = arith.constant 0 : i32
      %dma_wait3A_12 = tpu.memref_slice %arg5[%add3A, %dma_wait3A] : memref<32x10112xf32, #tpu.memory_space<hbm>> -> memref<1x10112xf32, #tpu.memory_space<hbm>>
      %dma_wait3A_13 = tpu.memref_squeeze %dma_wait3A_12 : memref<1x10112xf32, #tpu.memory_space<hbm>> -> memref<10112xf32, #tpu.memory_space<hbm>>
      %dma_wait3A_14 = arith.constant 0 : i32
      %dma_wait3A_15 = tpu.memref_slice %arg5[%add3A, %dma_wait3A_14] : memref<32x10112xf32, #tpu.memory_space<hbm>> -> memref<1x10112xf32, #tpu.memory_space<hbm>>
      %dma_wait3A_16 = tpu.memref_squeeze %dma_wait3A_15 : memref<1x10112xf32, #tpu.memory_space<hbm>> -> memref<10112xf32, #tpu.memory_space<hbm>>
      tpu.wait_dma2 semaphore(%run_scoped3A : memref<!tpu.dma_semaphore, #tpu.memory_space<semaphore_mem>>) src(%arg9 : memref<10112xf32, #tpu.memory_space<vmem>>) dst(%dma_wait3A_16 : memref<10112xf32, #tpu.memory_space<hbm>>)
      tpu.yield
    }) : () -> ()
    "tpu.region"() ({
      %run_scoped3A = tpu.sem_alloc : memref<!tpu.dma_semaphore, #tpu.memory_space<semaphore_mem>>
      %dma_start3A = arith.constant 0 : i32
      %dma_start3A_7 = tpu.memref_slice %arg6[%add3A, %dma_start3A] : memref<32x10112xf32, #tpu.memory_space<hbm>> -> memref<1x10112xf32, #tpu.memory_space<hbm>>
      %dma_start3A_8 = tpu.memref_squeeze %dma_start3A_7 : memref<1x10112xf32, #tpu.memory_space<hbm>> -> memref<10112xf32, #tpu.memory_space<hbm>>
      %dma_start3A_9 = arith.constant 0 : i32
      %dma_start3A_10 = tpu.memref_slice %arg6[%add3A, %dma_start3A_9] : memref<32x10112xf32, #tpu.memory_space<hbm>> -> memref<1x10112xf32, #tpu.memory_space<hbm>>
      %dma_start3A_11 = tpu.memref_squeeze %dma_start3A_10 : memref<1x10112xf32, #tpu.memory_space<hbm>> -> memref<10112xf32, #tpu.memory_space<hbm>>
      tpu.enqueue_dma source(%arg10 : memref<10112xf32, #tpu.memory_space<vmem>>) target(%dma_start3A_11 : memref<10112xf32, #tpu.memory_space<hbm>>) target_semaphore(%run_scoped3A : memref<!tpu.dma_semaphore, #tpu.memory_space<semaphore_mem>>)
      %dma_wait3A = arith.constant 0 : i32
      %dma_wait3A_12 = tpu.memref_slice %arg6[%add3A, %dma_wait3A] : memref<32x10112xf32, #tpu.memory_space<hbm>> -> memref<1x10112xf32, #tpu.memory_space<hbm>>
      %dma_wait3A_13 = tpu.memref_squeeze %dma_wait3A_12 : memref<1x10112xf32, #tpu.memory_space<hbm>> -> memref<10112xf32, #tpu.memory_space<hbm>>
      %dma_wait3A_14 = arith.constant 0 : i32
      %dma_wait3A_15 = tpu.memref_slice %arg6[%add3A, %dma_wait3A_14] : memref<32x10112xf32, #tpu.memory_space<hbm>> -> memref<1x10112xf32, #tpu.memory_space<hbm>>
      %dma_wait3A_16 = tpu.memref_squeeze %dma_wait3A_15 : memref<1x10112xf32, #tpu.memory_space<hbm>> -> memref<10112xf32, #tpu.memory_space<hbm>>
      tpu.wait_dma2 semaphore(%run_scoped3A : memref<!tpu.dma_semaphore, #tpu.memory_space<semaphore_mem>>) src(%arg10 : memref<10112xf32, #tpu.memory_space<vmem>>) dst(%dma_wait3A_16 : memref<10112xf32, #tpu.memory_space<hbm>>)
      tpu.yield
    }) : () -> ()
    return
  }
}

#map = affine_map<(d0, d1) -> (0, 0)>
#map1 = affine_map<(d0, d1) -> (0, 0, 0)>
module attributes {stable_mosaic.version = 14 : i64} {
  func.func @agg(%arg0: i32, %arg1: i32, %arg2: memref<10112x128xf32, #tpu.memory_space<hbm>>, %arg3: memref<32x80x128xi32, #tpu.memory_space<hbm>>, %arg4: memref<32x80x128xi32, #tpu.memory_space<hbm>>, %arg5: memref<632x128xf32, #tpu.memory_space<hbm>>, %arg6: memref<2x10112x128xf32, #tpu.memory_space<hbm>>, %arg7: memref<40x128xi32, #tpu.memory_space<vmem>>, %arg8: memref<40x128xi32, #tpu.memory_space<vmem>>, %arg9: memref<128x128xf32, #tpu.memory_space<vmem>>, %arg10: memref<128x128xf32, #tpu.memory_space<vmem>>, %arg11: memref<10112x128xf32, #tpu.memory_space<vmem_shared>>, %arg12: memref<!tpu.dma_semaphore, #tpu.memory_space<semaphore_mem>>, %arg13: memref<!tpu.dma_semaphore, #tpu.memory_space<semaphore_mem>>) attributes {dimension_semantics = [#tpu.dimension_semantics<core_parallel>, #tpu.dimension_semantics<subcore_parallel>], iteration_bounds = array<i64: 2, 16>, scalar_prefetch = 0 : i64, scratch_operands = 7 : i64, tpu.core_type = #tpu.core_type<sc_vector_subcore>, window_params = [{transform_indices = #map}, {transform_indices = #map1}, {transform_indices = #map1}, {transform_indices = #map}, {transform_indices = #map1}]} {
    %mul3A = arith.constant 16 : i32
    %mul3A_0 = arith.muli %arg0, %mul3A : i32
    %add3A = arith.addi %mul3A_0, %arg1 : i32
    %mul3A_1 = arith.constant 632 : i32
    %mul3A_2 = arith.muli %arg1, %mul3A_1 : i32
    "tpu.region"() ({
      %run_scoped3A = tpu.sem_alloc : memref<!tpu.dma_semaphore, #tpu.memory_space<semaphore_mem>>
      %dma_start3A_42 = arith.constant 0 : i32
      %dma_start3A_43 = tpu.memref_slice %arg11[%mul3A_2, %dma_start3A_42] : memref<10112x128xf32, #tpu.memory_space<vmem_shared>> -> memref<632x128xf32, #tpu.memory_space<vmem_shared>>
      tpu.enqueue_dma source(%arg5 : memref<632x128xf32, #tpu.memory_space<hbm>>) target(%dma_start3A_43 : memref<632x128xf32, #tpu.memory_space<vmem_shared>>) target_semaphore(%run_scoped3A : memref<!tpu.dma_semaphore, #tpu.memory_space<semaphore_mem>>)
      %dma_wait3A = arith.constant 0 : i32
      %dma_wait3A_44 = tpu.memref_slice %arg11[%mul3A_2, %dma_wait3A] : memref<10112x128xf32, #tpu.memory_space<vmem_shared>> -> memref<632x128xf32, #tpu.memory_space<vmem_shared>>
      tpu.wait_dma2 semaphore(%run_scoped3A : memref<!tpu.dma_semaphore, #tpu.memory_space<semaphore_mem>>) src(%arg5 : memref<632x128xf32, #tpu.memory_space<hbm>>) dst(%dma_wait3A_44 : memref<632x128xf32, #tpu.memory_space<vmem_shared>>)
      tpu.yield
    }) : () -> ()
    %barrier3A = arith.constant 0 : index
    tpu.barrier barrier_id(%barrier3A)
    "tpu.region"() ({
      %run_scoped3A = tpu.sem_alloc : memref<!tpu.dma_semaphore, #tpu.memory_space<semaphore_mem>>
      %dma_start3A_42 = arith.constant 0 : i32
      %dma_start3A_43 = arith.constant 0 : i32
      %dma_start3A_44 = tpu.memref_slice %arg3[%add3A, %dma_start3A_42, %dma_start3A_43] : memref<32x80x128xi32, #tpu.memory_space<hbm>> -> memref<1x40x128xi32, #tpu.memory_space<hbm>>
      %dma_start3A_45 = tpu.memref_squeeze %dma_start3A_44 : memref<1x40x128xi32, #tpu.memory_space<hbm>> -> memref<40x128xi32, #tpu.memory_space<hbm>>
      %dma_start3A_46 = arith.constant 0 : i32
      %dma_start3A_47 = arith.constant 0 : i32
      %dma_start3A_48 = tpu.memref_slice %arg3[%add3A, %dma_start3A_46, %dma_start3A_47] : memref<32x80x128xi32, #tpu.memory_space<hbm>> -> memref<1x40x128xi32, #tpu.memory_space<hbm>>
      %dma_start3A_49 = tpu.memref_squeeze %dma_start3A_48 : memref<1x40x128xi32, #tpu.memory_space<hbm>> -> memref<40x128xi32, #tpu.memory_space<hbm>>
      tpu.enqueue_dma source(%dma_start3A_49 : memref<40x128xi32, #tpu.memory_space<hbm>>) target(%arg7 : memref<40x128xi32, #tpu.memory_space<vmem>>) target_semaphore(%run_scoped3A : memref<!tpu.dma_semaphore, #tpu.memory_space<semaphore_mem>>)
      %dma_wait3A = arith.constant 0 : i32
      %dma_wait3A_50 = arith.constant 0 : i32
      %dma_wait3A_51 = tpu.memref_slice %arg3[%add3A, %dma_wait3A, %dma_wait3A_50] : memref<32x80x128xi32, #tpu.memory_space<hbm>> -> memref<1x40x128xi32, #tpu.memory_space<hbm>>
      %dma_wait3A_52 = tpu.memref_squeeze %dma_wait3A_51 : memref<1x40x128xi32, #tpu.memory_space<hbm>> -> memref<40x128xi32, #tpu.memory_space<hbm>>
      %dma_wait3A_53 = arith.constant 0 : i32
      %dma_wait3A_54 = arith.constant 0 : i32
      %dma_wait3A_55 = tpu.memref_slice %arg3[%add3A, %dma_wait3A_53, %dma_wait3A_54] : memref<32x80x128xi32, #tpu.memory_space<hbm>> -> memref<1x40x128xi32, #tpu.memory_space<hbm>>
      %dma_wait3A_56 = tpu.memref_squeeze %dma_wait3A_55 : memref<1x40x128xi32, #tpu.memory_space<hbm>> -> memref<40x128xi32, #tpu.memory_space<hbm>>
      tpu.wait_dma2 semaphore(%run_scoped3A : memref<!tpu.dma_semaphore, #tpu.memory_space<semaphore_mem>>) src(%dma_wait3A_56 : memref<40x128xi32, #tpu.memory_space<hbm>>) dst(%arg7 : memref<40x128xi32, #tpu.memory_space<vmem>>)
      tpu.yield
    }) : () -> ()
    "tpu.region"() ({
      %run_scoped3A = tpu.sem_alloc : memref<!tpu.dma_semaphore, #tpu.memory_space<semaphore_mem>>
      %dma_start3A_42 = arith.constant 0 : i32
      %dma_start3A_43 = arith.constant 0 : i32
      %dma_start3A_44 = tpu.memref_slice %arg4[%add3A, %dma_start3A_42, %dma_start3A_43] : memref<32x80x128xi32, #tpu.memory_space<hbm>> -> memref<1x40x128xi32, #tpu.memory_space<hbm>>
      %dma_start3A_45 = tpu.memref_squeeze %dma_start3A_44 : memref<1x40x128xi32, #tpu.memory_space<hbm>> -> memref<40x128xi32, #tpu.memory_space<hbm>>
      %dma_start3A_46 = arith.constant 0 : i32
      %dma_start3A_47 = arith.constant 0 : i32
      %dma_start3A_48 = tpu.memref_slice %arg4[%add3A, %dma_start3A_46, %dma_start3A_47] : memref<32x80x128xi32, #tpu.memory_space<hbm>> -> memref<1x40x128xi32, #tpu.memory_space<hbm>>
      %dma_start3A_49 = tpu.memref_squeeze %dma_start3A_48 : memref<1x40x128xi32, #tpu.memory_space<hbm>> -> memref<40x128xi32, #tpu.memory_space<hbm>>
      tpu.enqueue_dma source(%dma_start3A_49 : memref<40x128xi32, #tpu.memory_space<hbm>>) target(%arg8 : memref<40x128xi32, #tpu.memory_space<vmem>>) target_semaphore(%run_scoped3A : memref<!tpu.dma_semaphore, #tpu.memory_space<semaphore_mem>>)
      %dma_wait3A = arith.constant 0 : i32
      %dma_wait3A_50 = arith.constant 0 : i32
      %dma_wait3A_51 = tpu.memref_slice %arg4[%add3A, %dma_wait3A, %dma_wait3A_50] : memref<32x80x128xi32, #tpu.memory_space<hbm>> -> memref<1x40x128xi32, #tpu.memory_space<hbm>>
      %dma_wait3A_52 = tpu.memref_squeeze %dma_wait3A_51 : memref<1x40x128xi32, #tpu.memory_space<hbm>> -> memref<40x128xi32, #tpu.memory_space<hbm>>
      %dma_wait3A_53 = arith.constant 0 : i32
      %dma_wait3A_54 = arith.constant 0 : i32
      %dma_wait3A_55 = tpu.memref_slice %arg4[%add3A, %dma_wait3A_53, %dma_wait3A_54] : memref<32x80x128xi32, #tpu.memory_space<hbm>> -> memref<1x40x128xi32, #tpu.memory_space<hbm>>
      %dma_wait3A_56 = tpu.memref_squeeze %dma_wait3A_55 : memref<1x40x128xi32, #tpu.memory_space<hbm>> -> memref<40x128xi32, #tpu.memory_space<hbm>>
      tpu.wait_dma2 semaphore(%run_scoped3A : memref<!tpu.dma_semaphore, #tpu.memory_space<semaphore_mem>>) src(%dma_wait3A_56 : memref<40x128xi32, #tpu.memory_space<hbm>>) dst(%arg8 : memref<40x128xi32, #tpu.memory_space<vmem>>)
      tpu.yield
    }) : () -> ()
    %dma_start3A = arith.constant 0 : i32
    %dma_start3A_3 = arith.constant 0 : i32
    %dma_start3A_4 = tpu.memref_slice %arg7[%dma_start3A, %dma_start3A_3] : memref<40x128xi32, #tpu.memory_space<vmem>> -> memref<1x128xi32, #tpu.memory_space<vmem>>
    %dma_start3A_5 = tpu.memref_squeeze %dma_start3A_4 : memref<1x128xi32, #tpu.memory_space<vmem>> -> memref<128xi32, #tpu.memory_space<vmem>>
    %dma_start3A_6 = arith.constant 0 : i32
    %dma_start3A_7 = arith.constant 0 : i32
    %dma_start3A_8 = tpu.memref_slice %arg2[%dma_start3A_6, %dma_start3A_7] : memref<10112x128xf32, #tpu.memory_space<hbm>> -> memref<10112x128xf32, #tpu.memory_space<hbm>>
    tpu.enqueue_indirect_dma source(%dma_start3A_8 : memref<10112x128xf32, #tpu.memory_space<hbm>>) target(%arg9 : memref<128x128xf32, #tpu.memory_space<vmem>>) offsets(%dma_start3A_5 : memref<128xi32, #tpu.memory_space<vmem>>) semaphore(%arg12 : memref<!tpu.dma_semaphore, #tpu.memory_space<semaphore_mem>>)
    %dma_start3A_9 = arith.constant 1 : i32
    %dma_start3A_10 = arith.constant 0 : i32
    %dma_start3A_11 = tpu.memref_slice %arg7[%dma_start3A_9, %dma_start3A_10] : memref<40x128xi32, #tpu.memory_space<vmem>> -> memref<1x128xi32, #tpu.memory_space<vmem>>
    %dma_start3A_12 = tpu.memref_squeeze %dma_start3A_11 : memref<1x128xi32, #tpu.memory_space<vmem>> -> memref<128xi32, #tpu.memory_space<vmem>>
    %dma_start3A_13 = arith.constant 0 : i32
    %dma_start3A_14 = arith.constant 0 : i32
    %dma_start3A_15 = tpu.memref_slice %arg2[%dma_start3A_13, %dma_start3A_14] : memref<10112x128xf32, #tpu.memory_space<hbm>> -> memref<10112x128xf32, #tpu.memory_space<hbm>>
    tpu.enqueue_indirect_dma source(%dma_start3A_15 : memref<10112x128xf32, #tpu.memory_space<hbm>>) target(%arg10 : memref<128x128xf32, #tpu.memory_space<vmem>>) offsets(%dma_start3A_12 : memref<128xi32, #tpu.memory_space<vmem>>) semaphore(%arg13 : memref<!tpu.dma_semaphore, #tpu.memory_space<semaphore_mem>>)
    %scan3A = arith.constant 0 : i32
    %scan3A_16 = arith.constant 0 : i32
    %scan3A_17 = arith.constant 20 : i32
    %scan3A_18 = arith.addi %scan3A_16, %scan3A_17 : i32
    %scan3A_19 = arith.constant 1 : i32
    scf.for %scan3A_42 = %scan3A_16 to %scan3A_18 step %scan3A_19  : i32 {
      %mul3A_43 = arith.constant 2 : i32
      %mul3A_44 = arith.muli %mul3A_43, %scan3A_42 : i32
      %add3A_45 = arith.constant 1 : i32
      %add3A_46 = arith.addi %mul3A_44, %add3A_45 : i32
      %dma_wait3A = arith.constant 0 : i32
      %dma_wait3A_47 = tpu.memref_slice %arg7[%mul3A_44, %dma_wait3A] : memref<40x128xi32, #tpu.memory_space<vmem>> -> memref<1x128xi32, #tpu.memory_space<vmem>>
      %dma_wait3A_48 = tpu.memref_squeeze %dma_wait3A_47 : memref<1x128xi32, #tpu.memory_space<vmem>> -> memref<128xi32, #tpu.memory_space<vmem>>
      %dma_wait3A_49 = arith.constant 0 : i32
      %dma_wait3A_50 = arith.constant 0 : i32
      %dma_wait3A_51 = tpu.memref_slice %arg2[%dma_wait3A_49, %dma_wait3A_50] : memref<10112x128xf32, #tpu.memory_space<hbm>> -> memref<10112x128xf32, #tpu.memory_space<hbm>>
      tpu.wait_indirect_dma semaphore(%arg12 : memref<!tpu.dma_semaphore, #tpu.memory_space<semaphore_mem>>) src(%dma_wait3A_51 : memref<10112x128xf32, #tpu.memory_space<hbm>>) dst(%arg9 : memref<128x128xf32, #tpu.memory_space<vmem>>)
      "tpu.region"() ({
        %run_scoped3A = tpu.sem_alloc : memref<!tpu.dma_semaphore, #tpu.memory_space<semaphore_mem>>
        %dma_start3A_65 = arith.constant 0 : i32
        %dma_start3A_66 = tpu.memref_slice %arg8[%mul3A_44, %dma_start3A_65] : memref<40x128xi32, #tpu.memory_space<vmem>> -> memref<1x128xi32, #tpu.memory_space<vmem>>
        %dma_start3A_67 = tpu.memref_squeeze %dma_start3A_66 : memref<1x128xi32, #tpu.memory_space<vmem>> -> memref<128xi32, #tpu.memory_space<vmem>>
        %dma_start3A_68 = arith.constant 0 : i32
        %dma_start3A_69 = arith.constant 0 : i32
        %dma_start3A_70 = tpu.memref_slice %arg11[%dma_start3A_68, %dma_start3A_69] : memref<10112x128xf32, #tpu.memory_space<vmem_shared>> -> memref<10112x128xf32, #tpu.memory_space<vmem_shared>>
        tpu.enqueue_indirect_dma source(%arg9 : memref<128x128xf32, #tpu.memory_space<vmem>>) target(%dma_start3A_70 : memref<10112x128xf32, #tpu.memory_space<vmem_shared>>) offsets(%dma_start3A_67 : memref<128xi32, #tpu.memory_space<vmem>>) semaphore(%run_scoped3A : memref<!tpu.dma_semaphore, #tpu.memory_space<semaphore_mem>>) {add = true}
        %dma_wait3A_71 = arith.constant 0 : i32
        %dma_wait3A_72 = tpu.memref_slice %arg8[%mul3A_44, %dma_wait3A_71] : memref<40x128xi32, #tpu.memory_space<vmem>> -> memref<1x128xi32, #tpu.memory_space<vmem>>
        %dma_wait3A_73 = tpu.memref_squeeze %dma_wait3A_72 : memref<1x128xi32, #tpu.memory_space<vmem>> -> memref<128xi32, #tpu.memory_space<vmem>>
        %dma_wait3A_74 = arith.constant 0 : i32
        %dma_wait3A_75 = arith.constant 0 : i32
        %dma_wait3A_76 = tpu.memref_slice %arg11[%dma_wait3A_74, %dma_wait3A_75] : memref<10112x128xf32, #tpu.memory_space<vmem_shared>> -> memref<10112x128xf32, #tpu.memory_space<vmem_shared>>
        tpu.wait_indirect_dma semaphore(%run_scoped3A : memref<!tpu.dma_semaphore, #tpu.memory_space<semaphore_mem>>) src(%arg9 : memref<128x128xf32, #tpu.memory_space<vmem>>) dst(%dma_wait3A_76 : memref<10112x128xf32, #tpu.memory_space<vmem_shared>>)
        tpu.yield
      }) : () -> ()
      %lt3A = arith.constant 19 : i32
      %lt3A_52 = arith.cmpi slt, %scan3A_42, %lt3A : i32
      %convert_element_type3A = arith.extui %lt3A_52 : i1 to i32
      %cond3A = arith.constant 0 : i32
      %cond3A_53 = arith.cmpi ne, %convert_element_type3A, %cond3A : i32
      scf.if %cond3A_53 {
        %add3A_65 = arith.constant 2 : i32
        %add3A_66 = arith.addi %mul3A_44, %add3A_65 : i32
        %dma_start3A_67 = arith.constant 0 : i32
        %dma_start3A_68 = tpu.memref_slice %arg7[%add3A_66, %dma_start3A_67] : memref<40x128xi32, #tpu.memory_space<vmem>> -> memref<1x128xi32, #tpu.memory_space<vmem>>
        %dma_start3A_69 = tpu.memref_squeeze %dma_start3A_68 : memref<1x128xi32, #tpu.memory_space<vmem>> -> memref<128xi32, #tpu.memory_space<vmem>>
        %dma_start3A_70 = arith.constant 0 : i32
        %dma_start3A_71 = arith.constant 0 : i32
        %dma_start3A_72 = tpu.memref_slice %arg2[%dma_start3A_70, %dma_start3A_71] : memref<10112x128xf32, #tpu.memory_space<hbm>> -> memref<10112x128xf32, #tpu.memory_space<hbm>>
        tpu.enqueue_indirect_dma source(%dma_start3A_72 : memref<10112x128xf32, #tpu.memory_space<hbm>>) target(%arg9 : memref<128x128xf32, #tpu.memory_space<vmem>>) offsets(%dma_start3A_69 : memref<128xi32, #tpu.memory_space<vmem>>) semaphore(%arg12 : memref<!tpu.dma_semaphore, #tpu.memory_space<semaphore_mem>>)
      } else {
      }
      %dma_wait3A_54 = arith.constant 0 : i32
      %dma_wait3A_55 = tpu.memref_slice %arg7[%add3A_46, %dma_wait3A_54] : memref<40x128xi32, #tpu.memory_space<vmem>> -> memref<1x128xi32, #tpu.memory_space<vmem>>
      %dma_wait3A_56 = tpu.memref_squeeze %dma_wait3A_55 : memref<1x128xi32, #tpu.memory_space<vmem>> -> memref<128xi32, #tpu.memory_space<vmem>>
      %dma_wait3A_57 = arith.constant 0 : i32
      %dma_wait3A_58 = arith.constant 0 : i32
      %dma_wait3A_59 = tpu.memref_slice %arg2[%dma_wait3A_57, %dma_wait3A_58] : memref<10112x128xf32, #tpu.memory_space<hbm>> -> memref<10112x128xf32, #tpu.memory_space<hbm>>
      tpu.wait_indirect_dma semaphore(%arg13 : memref<!tpu.dma_semaphore, #tpu.memory_space<semaphore_mem>>) src(%dma_wait3A_59 : memref<10112x128xf32, #tpu.memory_space<hbm>>) dst(%arg10 : memref<128x128xf32, #tpu.memory_space<vmem>>)
      "tpu.region"() ({
        %run_scoped3A = tpu.sem_alloc : memref<!tpu.dma_semaphore, #tpu.memory_space<semaphore_mem>>
        %dma_start3A_65 = arith.constant 0 : i32
        %dma_start3A_66 = tpu.memref_slice %arg8[%add3A_46, %dma_start3A_65] : memref<40x128xi32, #tpu.memory_space<vmem>> -> memref<1x128xi32, #tpu.memory_space<vmem>>
        %dma_start3A_67 = tpu.memref_squeeze %dma_start3A_66 : memref<1x128xi32, #tpu.memory_space<vmem>> -> memref<128xi32, #tpu.memory_space<vmem>>
        %dma_start3A_68 = arith.constant 0 : i32
        %dma_start3A_69 = arith.constant 0 : i32
        %dma_start3A_70 = tpu.memref_slice %arg11[%dma_start3A_68, %dma_start3A_69] : memref<10112x128xf32, #tpu.memory_space<vmem_shared>> -> memref<10112x128xf32, #tpu.memory_space<vmem_shared>>
        tpu.enqueue_indirect_dma source(%arg10 : memref<128x128xf32, #tpu.memory_space<vmem>>) target(%dma_start3A_70 : memref<10112x128xf32, #tpu.memory_space<vmem_shared>>) offsets(%dma_start3A_67 : memref<128xi32, #tpu.memory_space<vmem>>) semaphore(%run_scoped3A : memref<!tpu.dma_semaphore, #tpu.memory_space<semaphore_mem>>) {add = true}
        %dma_wait3A_71 = arith.constant 0 : i32
        %dma_wait3A_72 = tpu.memref_slice %arg8[%add3A_46, %dma_wait3A_71] : memref<40x128xi32, #tpu.memory_space<vmem>> -> memref<1x128xi32, #tpu.memory_space<vmem>>
        %dma_wait3A_73 = tpu.memref_squeeze %dma_wait3A_72 : memref<1x128xi32, #tpu.memory_space<vmem>> -> memref<128xi32, #tpu.memory_space<vmem>>
        %dma_wait3A_74 = arith.constant 0 : i32
        %dma_wait3A_75 = arith.constant 0 : i32
        %dma_wait3A_76 = tpu.memref_slice %arg11[%dma_wait3A_74, %dma_wait3A_75] : memref<10112x128xf32, #tpu.memory_space<vmem_shared>> -> memref<10112x128xf32, #tpu.memory_space<vmem_shared>>
        tpu.wait_indirect_dma semaphore(%run_scoped3A : memref<!tpu.dma_semaphore, #tpu.memory_space<semaphore_mem>>) src(%arg10 : memref<128x128xf32, #tpu.memory_space<vmem>>) dst(%dma_wait3A_76 : memref<10112x128xf32, #tpu.memory_space<vmem_shared>>)
        tpu.yield
      }) : () -> ()
      %lt3A_60 = arith.constant 19 : i32
      %lt3A_61 = arith.cmpi slt, %scan3A_42, %lt3A_60 : i32
      %convert_element_type3A_62 = arith.extui %lt3A_61 : i1 to i32
      %cond3A_63 = arith.constant 0 : i32
      %cond3A_64 = arith.cmpi ne, %convert_element_type3A_62, %cond3A_63 : i32
      scf.if %cond3A_64 {
        %add3A_65 = arith.constant 2 : i32
        %add3A_66 = arith.addi %add3A_46, %add3A_65 : i32
        %dma_start3A_67 = arith.constant 0 : i32
        %dma_start3A_68 = tpu.memref_slice %arg7[%add3A_66, %dma_start3A_67] : memref<40x128xi32, #tpu.memory_space<vmem>> -> memref<1x128xi32, #tpu.memory_space<vmem>>
        %dma_start3A_69 = tpu.memref_squeeze %dma_start3A_68 : memref<1x128xi32, #tpu.memory_space<vmem>> -> memref<128xi32, #tpu.memory_space<vmem>>
        %dma_start3A_70 = arith.constant 0 : i32
        %dma_start3A_71 = arith.constant 0 : i32
        %dma_start3A_72 = tpu.memref_slice %arg2[%dma_start3A_70, %dma_start3A_71] : memref<10112x128xf32, #tpu.memory_space<hbm>> -> memref<10112x128xf32, #tpu.memory_space<hbm>>
        tpu.enqueue_indirect_dma source(%dma_start3A_72 : memref<10112x128xf32, #tpu.memory_space<hbm>>) target(%arg10 : memref<128x128xf32, #tpu.memory_space<vmem>>) offsets(%dma_start3A_69 : memref<128xi32, #tpu.memory_space<vmem>>) semaphore(%arg13 : memref<!tpu.dma_semaphore, #tpu.memory_space<semaphore_mem>>)
      } else {
      }
    }
    %scan3A_20 = arith.constant 20 : i32
    "tpu.region"() ({
      %run_scoped3A = tpu.sem_alloc : memref<!tpu.dma_semaphore, #tpu.memory_space<semaphore_mem>>
      %dma_start3A_42 = arith.constant 40 : i32
      %dma_start3A_43 = arith.constant 0 : i32
      %dma_start3A_44 = tpu.memref_slice %arg3[%add3A, %dma_start3A_42, %dma_start3A_43] : memref<32x80x128xi32, #tpu.memory_space<hbm>> -> memref<1x40x128xi32, #tpu.memory_space<hbm>>
      %dma_start3A_45 = tpu.memref_squeeze %dma_start3A_44 : memref<1x40x128xi32, #tpu.memory_space<hbm>> -> memref<40x128xi32, #tpu.memory_space<hbm>>
      %dma_start3A_46 = arith.constant 40 : i32
      %dma_start3A_47 = arith.constant 0 : i32
      %dma_start3A_48 = tpu.memref_slice %arg3[%add3A, %dma_start3A_46, %dma_start3A_47] : memref<32x80x128xi32, #tpu.memory_space<hbm>> -> memref<1x40x128xi32, #tpu.memory_space<hbm>>
      %dma_start3A_49 = tpu.memref_squeeze %dma_start3A_48 : memref<1x40x128xi32, #tpu.memory_space<hbm>> -> memref<40x128xi32, #tpu.memory_space<hbm>>
      tpu.enqueue_dma source(%dma_start3A_49 : memref<40x128xi32, #tpu.memory_space<hbm>>) target(%arg7 : memref<40x128xi32, #tpu.memory_space<vmem>>) target_semaphore(%run_scoped3A : memref<!tpu.dma_semaphore, #tpu.memory_space<semaphore_mem>>)
      %dma_wait3A = arith.constant 40 : i32
      %dma_wait3A_50 = arith.constant 0 : i32
      %dma_wait3A_51 = tpu.memref_slice %arg3[%add3A, %dma_wait3A, %dma_wait3A_50] : memref<32x80x128xi32, #tpu.memory_space<hbm>> -> memref<1x40x128xi32, #tpu.memory_space<hbm>>
      %dma_wait3A_52 = tpu.memref_squeeze %dma_wait3A_51 : memref<1x40x128xi32, #tpu.memory_space<hbm>> -> memref<40x128xi32, #tpu.memory_space<hbm>>
      %dma_wait3A_53 = arith.constant 40 : i32
      %dma_wait3A_54 = arith.constant 0 : i32
      %dma_wait3A_55 = tpu.memref_slice %arg3[%add3A, %dma_wait3A_53, %dma_wait3A_54] : memref<32x80x128xi32, #tpu.memory_space<hbm>> -> memref<1x40x128xi32, #tpu.memory_space<hbm>>
      %dma_wait3A_56 = tpu.memref_squeeze %dma_wait3A_55 : memref<1x40x128xi32, #tpu.memory_space<hbm>> -> memref<40x128xi32, #tpu.memory_space<hbm>>
      tpu.wait_dma2 semaphore(%run_scoped3A : memref<!tpu.dma_semaphore, #tpu.memory_space<semaphore_mem>>) src(%dma_wait3A_56 : memref<40x128xi32, #tpu.memory_space<hbm>>) dst(%arg7 : memref<40x128xi32, #tpu.memory_space<vmem>>)
      tpu.yield
    }) : () -> ()
    "tpu.region"() ({
      %run_scoped3A = tpu.sem_alloc : memref<!tpu.dma_semaphore, #tpu.memory_space<semaphore_mem>>
      %dma_start3A_42 = arith.constant 40 : i32
      %dma_start3A_43 = arith.constant 0 : i32
      %dma_start3A_44 = tpu.memref_slice %arg4[%add3A, %dma_start3A_42, %dma_start3A_43] : memref<32x80x128xi32, #tpu.memory_space<hbm>> -> memref<1x40x128xi32, #tpu.memory_space<hbm>>
      %dma_start3A_45 = tpu.memref_squeeze %dma_start3A_44 : memref<1x40x128xi32, #tpu.memory_space<hbm>> -> memref<40x128xi32, #tpu.memory_space<hbm>>
      %dma_start3A_46 = arith.constant 40 : i32
      %dma_start3A_47 = arith.constant 0 : i32
      %dma_start3A_48 = tpu.memref_slice %arg4[%add3A, %dma_start3A_46, %dma_start3A_47] : memref<32x80x128xi32, #tpu.memory_space<hbm>> -> memref<1x40x128xi32, #tpu.memory_space<hbm>>
      %dma_start3A_49 = tpu.memref_squeeze %dma_start3A_48 : memref<1x40x128xi32, #tpu.memory_space<hbm>> -> memref<40x128xi32, #tpu.memory_space<hbm>>
      tpu.enqueue_dma source(%dma_start3A_49 : memref<40x128xi32, #tpu.memory_space<hbm>>) target(%arg8 : memref<40x128xi32, #tpu.memory_space<vmem>>) target_semaphore(%run_scoped3A : memref<!tpu.dma_semaphore, #tpu.memory_space<semaphore_mem>>)
      %dma_wait3A = arith.constant 40 : i32
      %dma_wait3A_50 = arith.constant 0 : i32
      %dma_wait3A_51 = tpu.memref_slice %arg4[%add3A, %dma_wait3A, %dma_wait3A_50] : memref<32x80x128xi32, #tpu.memory_space<hbm>> -> memref<1x40x128xi32, #tpu.memory_space<hbm>>
      %dma_wait3A_52 = tpu.memref_squeeze %dma_wait3A_51 : memref<1x40x128xi32, #tpu.memory_space<hbm>> -> memref<40x128xi32, #tpu.memory_space<hbm>>
      %dma_wait3A_53 = arith.constant 40 : i32
      %dma_wait3A_54 = arith.constant 0 : i32
      %dma_wait3A_55 = tpu.memref_slice %arg4[%add3A, %dma_wait3A_53, %dma_wait3A_54] : memref<32x80x128xi32, #tpu.memory_space<hbm>> -> memref<1x40x128xi32, #tpu.memory_space<hbm>>
      %dma_wait3A_56 = tpu.memref_squeeze %dma_wait3A_55 : memref<1x40x128xi32, #tpu.memory_space<hbm>> -> memref<40x128xi32, #tpu.memory_space<hbm>>
      tpu.wait_dma2 semaphore(%run_scoped3A : memref<!tpu.dma_semaphore, #tpu.memory_space<semaphore_mem>>) src(%dma_wait3A_56 : memref<40x128xi32, #tpu.memory_space<hbm>>) dst(%arg8 : memref<40x128xi32, #tpu.memory_space<vmem>>)
      tpu.yield
    }) : () -> ()
    %dma_start3A_21 = arith.constant 0 : i32
    %dma_start3A_22 = arith.constant 0 : i32
    %dma_start3A_23 = tpu.memref_slice %arg7[%dma_start3A_21, %dma_start3A_22] : memref<40x128xi32, #tpu.memory_space<vmem>> -> memref<1x128xi32, #tpu.memory_space<vmem>>
    %dma_start3A_24 = tpu.memref_squeeze %dma_start3A_23 : memref<1x128xi32, #tpu.memory_space<vmem>> -> memref<128xi32, #tpu.memory_space<vmem>>
    %dma_start3A_25 = arith.constant 0 : i32
    %dma_start3A_26 = arith.constant 0 : i32
    %dma_start3A_27 = tpu.memref_slice %arg2[%dma_start3A_25, %dma_start3A_26] : memref<10112x128xf32, #tpu.memory_space<hbm>> -> memref<10112x128xf32, #tpu.memory_space<hbm>>
    tpu.enqueue_indirect_dma source(%dma_start3A_27 : memref<10112x128xf32, #tpu.memory_space<hbm>>) target(%arg9 : memref<128x128xf32, #tpu.memory_space<vmem>>) offsets(%dma_start3A_24 : memref<128xi32, #tpu.memory_space<vmem>>) semaphore(%arg12 : memref<!tpu.dma_semaphore, #tpu.memory_space<semaphore_mem>>)
    %dma_start3A_28 = arith.constant 1 : i32
    %dma_start3A_29 = arith.constant 0 : i32
    %dma_start3A_30 = tpu.memref_slice %arg7[%dma_start3A_28, %dma_start3A_29] : memref<40x128xi32, #tpu.memory_space<vmem>> -> memref<1x128xi32, #tpu.memory_space<vmem>>
    %dma_start3A_31 = tpu.memref_squeeze %dma_start3A_30 : memref<1x128xi32, #tpu.memory_space<vmem>> -> memref<128xi32, #tpu.memory_space<vmem>>
    %dma_start3A_32 = arith.constant 0 : i32
    %dma_start3A_33 = arith.constant 0 : i32
    %dma_start3A_34 = tpu.memref_slice %arg2[%dma_start3A_32, %dma_start3A_33] : memref<10112x128xf32, #tpu.memory_space<hbm>> -> memref<10112x128xf32, #tpu.memory_space<hbm>>
    tpu.enqueue_indirect_dma source(%dma_start3A_34 : memref<10112x128xf32, #tpu.memory_space<hbm>>) target(%arg10 : memref<128x128xf32, #tpu.memory_space<vmem>>) offsets(%dma_start3A_31 : memref<128xi32, #tpu.memory_space<vmem>>) semaphore(%arg13 : memref<!tpu.dma_semaphore, #tpu.memory_space<semaphore_mem>>)
    %scan3A_35 = arith.constant 0 : i32
    %scan3A_36 = arith.constant 0 : i32
    %scan3A_37 = arith.constant 20 : i32
    %scan3A_38 = arith.addi %scan3A_36, %scan3A_37 : i32
    %scan3A_39 = arith.constant 1 : i32
    scf.for %scan3A_42 = %scan3A_36 to %scan3A_38 step %scan3A_39  : i32 {
      %mul3A_43 = arith.constant 2 : i32
      %mul3A_44 = arith.muli %mul3A_43, %scan3A_42 : i32
      %add3A_45 = arith.constant 1 : i32
      %add3A_46 = arith.addi %mul3A_44, %add3A_45 : i32
      %dma_wait3A = arith.constant 0 : i32
      %dma_wait3A_47 = tpu.memref_slice %arg7[%mul3A_44, %dma_wait3A] : memref<40x128xi32, #tpu.memory_space<vmem>> -> memref<1x128xi32, #tpu.memory_space<vmem>>
      %dma_wait3A_48 = tpu.memref_squeeze %dma_wait3A_47 : memref<1x128xi32, #tpu.memory_space<vmem>> -> memref<128xi32, #tpu.memory_space<vmem>>
      %dma_wait3A_49 = arith.constant 0 : i32
      %dma_wait3A_50 = arith.constant 0 : i32
      %dma_wait3A_51 = tpu.memref_slice %arg2[%dma_wait3A_49, %dma_wait3A_50] : memref<10112x128xf32, #tpu.memory_space<hbm>> -> memref<10112x128xf32, #tpu.memory_space<hbm>>
      tpu.wait_indirect_dma semaphore(%arg12 : memref<!tpu.dma_semaphore, #tpu.memory_space<semaphore_mem>>) src(%dma_wait3A_51 : memref<10112x128xf32, #tpu.memory_space<hbm>>) dst(%arg9 : memref<128x128xf32, #tpu.memory_space<vmem>>)
      "tpu.region"() ({
        %run_scoped3A = tpu.sem_alloc : memref<!tpu.dma_semaphore, #tpu.memory_space<semaphore_mem>>
        %dma_start3A_65 = arith.constant 0 : i32
        %dma_start3A_66 = tpu.memref_slice %arg8[%mul3A_44, %dma_start3A_65] : memref<40x128xi32, #tpu.memory_space<vmem>> -> memref<1x128xi32, #tpu.memory_space<vmem>>
        %dma_start3A_67 = tpu.memref_squeeze %dma_start3A_66 : memref<1x128xi32, #tpu.memory_space<vmem>> -> memref<128xi32, #tpu.memory_space<vmem>>
        %dma_start3A_68 = arith.constant 0 : i32
        %dma_start3A_69 = arith.constant 0 : i32
        %dma_start3A_70 = tpu.memref_slice %arg11[%dma_start3A_68, %dma_start3A_69] : memref<10112x128xf32, #tpu.memory_space<vmem_shared>> -> memref<10112x128xf32, #tpu.memory_space<vmem_shared>>
        tpu.enqueue_indirect_dma source(%arg9 : memref<128x128xf32, #tpu.memory_space<vmem>>) target(%dma_start3A_70 : memref<10112x128xf32, #tpu.memory_space<vmem_shared>>) offsets(%dma_start3A_67 : memref<128xi32, #tpu.memory_space<vmem>>) semaphore(%run_scoped3A : memref<!tpu.dma_semaphore, #tpu.memory_space<semaphore_mem>>) {add = true}
        %dma_wait3A_71 = arith.constant 0 : i32
        %dma_wait3A_72 = tpu.memref_slice %arg8[%mul3A_44, %dma_wait3A_71] : memref<40x128xi32, #tpu.memory_space<vmem>> -> memref<1x128xi32, #tpu.memory_space<vmem>>
        %dma_wait3A_73 = tpu.memref_squeeze %dma_wait3A_72 : memref<1x128xi32, #tpu.memory_space<vmem>> -> memref<128xi32, #tpu.memory_space<vmem>>
        %dma_wait3A_74 = arith.constant 0 : i32
        %dma_wait3A_75 = arith.constant 0 : i32
        %dma_wait3A_76 = tpu.memref_slice %arg11[%dma_wait3A_74, %dma_wait3A_75] : memref<10112x128xf32, #tpu.memory_space<vmem_shared>> -> memref<10112x128xf32, #tpu.memory_space<vmem_shared>>
        tpu.wait_indirect_dma semaphore(%run_scoped3A : memref<!tpu.dma_semaphore, #tpu.memory_space<semaphore_mem>>) src(%arg9 : memref<128x128xf32, #tpu.memory_space<vmem>>) dst(%dma_wait3A_76 : memref<10112x128xf32, #tpu.memory_space<vmem_shared>>)
        tpu.yield
      }) : () -> ()
      %lt3A = arith.constant 19 : i32
      %lt3A_52 = arith.cmpi slt, %scan3A_42, %lt3A : i32
      %convert_element_type3A = arith.extui %lt3A_52 : i1 to i32
      %cond3A = arith.constant 0 : i32
      %cond3A_53 = arith.cmpi ne, %convert_element_type3A, %cond3A : i32
      scf.if %cond3A_53 {
        %add3A_65 = arith.constant 2 : i32
        %add3A_66 = arith.addi %mul3A_44, %add3A_65 : i32
        %dma_start3A_67 = arith.constant 0 : i32
        %dma_start3A_68 = tpu.memref_slice %arg7[%add3A_66, %dma_start3A_67] : memref<40x128xi32, #tpu.memory_space<vmem>> -> memref<1x128xi32, #tpu.memory_space<vmem>>
        %dma_start3A_69 = tpu.memref_squeeze %dma_start3A_68 : memref<1x128xi32, #tpu.memory_space<vmem>> -> memref<128xi32, #tpu.memory_space<vmem>>
        %dma_start3A_70 = arith.constant 0 : i32
        %dma_start3A_71 = arith.constant 0 : i32
        %dma_start3A_72 = tpu.memref_slice %arg2[%dma_start3A_70, %dma_start3A_71] : memref<10112x128xf32, #tpu.memory_space<hbm>> -> memref<10112x128xf32, #tpu.memory_space<hbm>>
        tpu.enqueue_indirect_dma source(%dma_start3A_72 : memref<10112x128xf32, #tpu.memory_space<hbm>>) target(%arg9 : memref<128x128xf32, #tpu.memory_space<vmem>>) offsets(%dma_start3A_69 : memref<128xi32, #tpu.memory_space<vmem>>) semaphore(%arg12 : memref<!tpu.dma_semaphore, #tpu.memory_space<semaphore_mem>>)
      } else {
      }
      %dma_wait3A_54 = arith.constant 0 : i32
      %dma_wait3A_55 = tpu.memref_slice %arg7[%add3A_46, %dma_wait3A_54] : memref<40x128xi32, #tpu.memory_space<vmem>> -> memref<1x128xi32, #tpu.memory_space<vmem>>
      %dma_wait3A_56 = tpu.memref_squeeze %dma_wait3A_55 : memref<1x128xi32, #tpu.memory_space<vmem>> -> memref<128xi32, #tpu.memory_space<vmem>>
      %dma_wait3A_57 = arith.constant 0 : i32
      %dma_wait3A_58 = arith.constant 0 : i32
      %dma_wait3A_59 = tpu.memref_slice %arg2[%dma_wait3A_57, %dma_wait3A_58] : memref<10112x128xf32, #tpu.memory_space<hbm>> -> memref<10112x128xf32, #tpu.memory_space<hbm>>
      tpu.wait_indirect_dma semaphore(%arg13 : memref<!tpu.dma_semaphore, #tpu.memory_space<semaphore_mem>>) src(%dma_wait3A_59 : memref<10112x128xf32, #tpu.memory_space<hbm>>) dst(%arg10 : memref<128x128xf32, #tpu.memory_space<vmem>>)
      "tpu.region"() ({
        %run_scoped3A = tpu.sem_alloc : memref<!tpu.dma_semaphore, #tpu.memory_space<semaphore_mem>>
        %dma_start3A_65 = arith.constant 0 : i32
        %dma_start3A_66 = tpu.memref_slice %arg8[%add3A_46, %dma_start3A_65] : memref<40x128xi32, #tpu.memory_space<vmem>> -> memref<1x128xi32, #tpu.memory_space<vmem>>
        %dma_start3A_67 = tpu.memref_squeeze %dma_start3A_66 : memref<1x128xi32, #tpu.memory_space<vmem>> -> memref<128xi32, #tpu.memory_space<vmem>>
        %dma_start3A_68 = arith.constant 0 : i32
        %dma_start3A_69 = arith.constant 0 : i32
        %dma_start3A_70 = tpu.memref_slice %arg11[%dma_start3A_68, %dma_start3A_69] : memref<10112x128xf32, #tpu.memory_space<vmem_shared>> -> memref<10112x128xf32, #tpu.memory_space<vmem_shared>>
        tpu.enqueue_indirect_dma source(%arg10 : memref<128x128xf32, #tpu.memory_space<vmem>>) target(%dma_start3A_70 : memref<10112x128xf32, #tpu.memory_space<vmem_shared>>) offsets(%dma_start3A_67 : memref<128xi32, #tpu.memory_space<vmem>>) semaphore(%run_scoped3A : memref<!tpu.dma_semaphore, #tpu.memory_space<semaphore_mem>>) {add = true}
        %dma_wait3A_71 = arith.constant 0 : i32
        %dma_wait3A_72 = tpu.memref_slice %arg8[%add3A_46, %dma_wait3A_71] : memref<40x128xi32, #tpu.memory_space<vmem>> -> memref<1x128xi32, #tpu.memory_space<vmem>>
        %dma_wait3A_73 = tpu.memref_squeeze %dma_wait3A_72 : memref<1x128xi32, #tpu.memory_space<vmem>> -> memref<128xi32, #tpu.memory_space<vmem>>
        %dma_wait3A_74 = arith.constant 0 : i32
        %dma_wait3A_75 = arith.constant 0 : i32
        %dma_wait3A_76 = tpu.memref_slice %arg11[%dma_wait3A_74, %dma_wait3A_75] : memref<10112x128xf32, #tpu.memory_space<vmem_shared>> -> memref<10112x128xf32, #tpu.memory_space<vmem_shared>>
        tpu.wait_indirect_dma semaphore(%run_scoped3A : memref<!tpu.dma_semaphore, #tpu.memory_space<semaphore_mem>>) src(%arg10 : memref<128x128xf32, #tpu.memory_space<vmem>>) dst(%dma_wait3A_76 : memref<10112x128xf32, #tpu.memory_space<vmem_shared>>)
        tpu.yield
      }) : () -> ()
      %lt3A_60 = arith.constant 19 : i32
      %lt3A_61 = arith.cmpi slt, %scan3A_42, %lt3A_60 : i32
      %convert_element_type3A_62 = arith.extui %lt3A_61 : i1 to i32
      %cond3A_63 = arith.constant 0 : i32
      %cond3A_64 = arith.cmpi ne, %convert_element_type3A_62, %cond3A_63 : i32
      scf.if %cond3A_64 {
        %add3A_65 = arith.constant 2 : i32
        %add3A_66 = arith.addi %add3A_46, %add3A_65 : i32
        %dma_start3A_67 = arith.constant 0 : i32
        %dma_start3A_68 = tpu.memref_slice %arg7[%add3A_66, %dma_start3A_67] : memref<40x128xi32, #tpu.memory_space<vmem>> -> memref<1x128xi32, #tpu.memory_space<vmem>>
        %dma_start3A_69 = tpu.memref_squeeze %dma_start3A_68 : memref<1x128xi32, #tpu.memory_space<vmem>> -> memref<128xi32, #tpu.memory_space<vmem>>
        %dma_start3A_70 = arith.constant 0 : i32
        %dma_start3A_71 = arith.constant 0 : i32
        %dma_start3A_72 = tpu.memref_slice %arg2[%dma_start3A_70, %dma_start3A_71] : memref<10112x128xf32, #tpu.memory_space<hbm>> -> memref<10112x128xf32, #tpu.memory_space<hbm>>
        tpu.enqueue_indirect_dma source(%dma_start3A_72 : memref<10112x128xf32, #tpu.memory_space<hbm>>) target(%arg10 : memref<128x128xf32, #tpu.memory_space<vmem>>) offsets(%dma_start3A_69 : memref<128xi32, #tpu.memory_space<vmem>>) semaphore(%arg13 : memref<!tpu.dma_semaphore, #tpu.memory_space<semaphore_mem>>)
      } else {
      }
    }
    %scan3A_40 = arith.constant 20 : i32
    %barrier3A_41 = arith.constant 0 : index
    tpu.barrier barrier_id(%barrier3A_41)
    "tpu.region"() ({
      %run_scoped3A = tpu.sem_alloc : memref<!tpu.dma_semaphore, #tpu.memory_space<semaphore_mem>>
      %dma_start3A_42 = arith.constant 0 : i32
      %dma_start3A_43 = arith.constant 0 : i32
      %dma_start3A_44 = tpu.memref_slice %arg6[%arg0, %dma_start3A_42, %dma_start3A_43] : memref<2x10112x128xf32, #tpu.memory_space<hbm>> -> memref<1x10112x128xf32, #tpu.memory_space<hbm>>
      %dma_start3A_45 = tpu.memref_squeeze %dma_start3A_44 : memref<1x10112x128xf32, #tpu.memory_space<hbm>> -> memref<10112x128xf32, #tpu.memory_space<hbm>>
      %dma_start3A_46 = arith.constant 0 : i32
      %dma_start3A_47 = tpu.memref_slice %dma_start3A_45[%mul3A_2, %dma_start3A_46] : memref<10112x128xf32, #tpu.memory_space<hbm>> -> memref<632x128xf32, #tpu.memory_space<hbm>>
      %dma_start3A_48 = arith.constant 0 : i32
      %dma_start3A_49 = tpu.memref_slice %arg11[%mul3A_2, %dma_start3A_48] : memref<10112x128xf32, #tpu.memory_space<vmem_shared>> -> memref<632x128xf32, #tpu.memory_space<vmem_shared>>
      tpu.enqueue_dma source(%dma_start3A_49 : memref<632x128xf32, #tpu.memory_space<vmem_shared>>) target(%dma_start3A_47 : memref<632x128xf32, #tpu.memory_space<hbm>>) target_semaphore(%run_scoped3A : memref<!tpu.dma_semaphore, #tpu.memory_space<semaphore_mem>>)
      %dma_wait3A = arith.constant 0 : i32
      %dma_wait3A_50 = arith.constant 0 : i32
      %dma_wait3A_51 = tpu.memref_slice %arg6[%arg0, %dma_wait3A, %dma_wait3A_50] : memref<2x10112x128xf32, #tpu.memory_space<hbm>> -> memref<1x10112x128xf32, #tpu.memory_space<hbm>>
      %dma_wait3A_52 = tpu.memref_squeeze %dma_wait3A_51 : memref<1x10112x128xf32, #tpu.memory_space<hbm>> -> memref<10112x128xf32, #tpu.memory_space<hbm>>
      %dma_wait3A_53 = arith.constant 0 : i32
      %dma_wait3A_54 = tpu.memref_slice %dma_wait3A_52[%mul3A_2, %dma_wait3A_53] : memref<10112x128xf32, #tpu.memory_space<hbm>> -> memref<632x128xf32, #tpu.memory_space<hbm>>
      %dma_wait3A_55 = arith.constant 0 : i32
      %dma_wait3A_56 = tpu.memref_slice %arg11[%mul3A_2, %dma_wait3A_55] : memref<10112x128xf32, #tpu.memory_space<vmem_shared>> -> memref<632x128xf32, #tpu.memory_space<vmem_shared>>
      tpu.wait_dma2 semaphore(%run_scoped3A : memref<!tpu.dma_semaphore, #tpu.memory_space<semaphore_mem>>) src(%dma_wait3A_56 : memref<632x128xf32, #tpu.memory_space<vmem_shared>>) dst(%dma_wait3A_54 : memref<632x128xf32, #tpu.memory_space<hbm>>)
      tpu.yield
    }) : () -> ()
    return
  }
}

module attributes {stable_mosaic.version = 14 : i64} {
  func.func @body(%arg0: memref<10112x128xf32, #tpu.memory_space<vmem>>, %arg1: memref<128x128xf32, #tpu.memory_space<vmem>>, %arg2: memref<32x10112xf32, #tpu.memory_space<vmem>>, %arg3: memref<10112x128xf32, #tpu.memory_space<vmem>>) attributes {dimension_semantics = [], scalar_prefetch = 0 : i64, scratch_operands = 0 : i64, tpu.core_type = #tpu.core_type<tc>} {
    %get3A = arith.constant 0 : index
    %get3A_0 = arith.constant 0 : index
    %get3A_1 = vector.load %arg2[%get3A, %get3A_0] : memref<32x10112xf32, #tpu.memory_space<vmem>>, vector<32x10112xf32>
    %reduce_sum3A = arith.constant dense<0.000000e+00> : vector<10112xf32>
    %reduce_sum3A_2 = vector.multi_reduction <add>, %get3A_1, %reduce_sum3A [0] : vector<32x10112xf32> to vector<10112xf32>
    %max3A = arith.constant 1.000000e+00 : f32
    %max3A_3 = vector.broadcast %max3A : f32 to vector<10112xf32>
    %max3A_4 = arith.maximumf %reduce_sum3A_2, %max3A_3 : vector<10112xf32>
    %rsqrt3A = math.rsqrt %max3A_4 : vector<10112xf32>
    %get3A_5 = arith.constant 0 : index
    %get3A_6 = arith.constant 0 : index
    %get3A_7 = vector.load %arg0[%get3A_5, %get3A_6] : memref<10112x128xf32, #tpu.memory_space<vmem>>, vector<10112x128xf32>
    %get3A_8 = arith.constant 0 : index
    %get3A_9 = arith.constant 0 : index
    %get3A_10 = vector.load %arg1[%get3A_8, %get3A_9] : memref<128x128xf32, #tpu.memory_space<vmem>>, vector<128x128xf32>
    %dot_general3A = arith.constant dense<0.000000e+00> : vector<10112x128xf32>
    %dot_general3A_11 = tpu.matmul %get3A_7, %get3A_10, %dot_general3A {dimension_numbers = #tpu.dot_dimension_numbers<[1], [0], [0], [1], [0, 0, 1, 1], [], []>, transpose_lhs_hint = false} : vector<10112x128xf32>, vector<128x128xf32>, vector<10112x128xf32> -> vector<10112x128xf32>
    %broadcast_in_dim3A = vector.shape_cast %rsqrt3A : vector<10112xf32> to vector<10112x1xf32>
    %mul3A = vector.broadcast %broadcast_in_dim3A : vector<10112x1xf32> to vector<10112x128xf32>
    %mul3A_12 = arith.mulf %dot_general3A_11, %mul3A : vector<10112x128xf32>
    %swap3A = arith.constant 0 : index
    %swap3A_13 = arith.constant 0 : index
    %swap3A_14 = vector.load %arg3[%swap3A, %swap3A_13] : memref<10112x128xf32, #tpu.memory_space<vmem>>, vector<10112x128xf32>
    tpu.vector_store %arg3[%swap3A, %swap3A_13], %mul3A_12 {strides = array<i32>} : memref<10112x128xf32, #tpu.memory_space<vmem>>, vector<10112x128xf32>,
    return
  }
}

module attributes {stable_mosaic.version = 14 : i64} {
  func.func @body(%arg0: memref<2x10112x128xf32, #tpu.memory_space<vmem>>, %arg1: memref<32x10112xf32, #tpu.memory_space<vmem>>, %arg2: memref<32x10112xf32, #tpu.memory_space<vmem>>, %arg3: memref<1x128xf32, #tpu.memory_space<vmem>>, %arg4: memref<128x64xf32, #tpu.memory_space<vmem>>, %arg5: memref<10112x128xf32, #tpu.memory_space<vmem>>) attributes {dimension_semantics = [], scalar_prefetch = 0 : i64, scratch_operands = 0 : i64, tpu.core_type = #tpu.core_type<tc>} {
    %get3A = arith.constant 0 : index
    %get3A_0 = arith.constant 0 : index
    %get3A_1 = vector.load %arg1[%get3A, %get3A_0] : memref<32x10112xf32, #tpu.memory_space<vmem>>, vector<32x10112xf32>
    %reduce_sum3A = arith.constant dense<0.000000e+00> : vector<10112xf32>
    %reduce_sum3A_2 = vector.multi_reduction <add>, %get3A_1, %reduce_sum3A [0] : vector<32x10112xf32> to vector<10112xf32>
    %get3A_3 = arith.constant 0 : index
    %get3A_4 = arith.constant 0 : index
    %get3A_5 = vector.load %arg2[%get3A_3, %get3A_4] : memref<32x10112xf32, #tpu.memory_space<vmem>>, vector<32x10112xf32>
    %reduce_sum3A_6 = arith.constant dense<0.000000e+00> : vector<10112xf32>
    %reduce_sum3A_7 = vector.multi_reduction <add>, %get3A_5, %reduce_sum3A_6 [0] : vector<32x10112xf32> to vector<10112xf32>
    %max3A = arith.constant 1.000000e+00 : f32
    %max3A_8 = vector.broadcast %max3A : f32 to vector<10112xf32>
    %max3A_9 = arith.maximumf %reduce_sum3A_2, %max3A_8 : vector<10112xf32>
    %rsqrt3A = math.rsqrt %max3A_9 : vector<10112xf32>
    %max3A_10 = arith.constant 1.000000e+00 : f32
    %max3A_11 = vector.broadcast %max3A_10 : f32 to vector<10112xf32>
    %max3A_12 = arith.maximumf %reduce_sum3A_7, %max3A_11 : vector<10112xf32>
    %rsqrt3A_13 = math.rsqrt %max3A_12 : vector<10112xf32>
    %get3A_14 = arith.constant 0 : index
    %get3A_15 = arith.constant 0 : index
    %get3A_16 = arith.constant 0 : index
    %get3A_17 = vector.load %arg0[%get3A_14, %get3A_15, %get3A_16] : memref<2x10112x128xf32, #tpu.memory_space<vmem>>, vector<1x10112x128xf32>
    %get3A_18 = vector.shape_cast %get3A_17 : vector<1x10112x128xf32> to vector<10112x128xf32>
    %get3A_19 = arith.constant 1 : index
    %get3A_20 = arith.constant 0 : index
    %get3A_21 = arith.constant 0 : index
    %get3A_22 = vector.load %arg0[%get3A_19, %get3A_20, %get3A_21] : memref<2x10112x128xf32, #tpu.memory_space<vmem>>, vector<1x10112x128xf32>
    %get3A_23 = vector.shape_cast %get3A_22 : vector<1x10112x128xf32> to vector<10112x128xf32>
    %add3A = arith.addf %get3A_18, %get3A_23 : vector<10112x128xf32>
    %broadcast_in_dim3A = vector.shape_cast %rsqrt3A_13 : vector<10112xf32> to vector<10112x1xf32>
    %mul3A = vector.broadcast %broadcast_in_dim3A : vector<10112x1xf32> to vector<10112x128xf32>
    %mul3A_24 = arith.mulf %add3A, %mul3A : vector<10112x128xf32>
    %get3A_25 = arith.constant 0 : index
    %get3A_26 = arith.constant 0 : index
    %get3A_27 = vector.load %arg3[%get3A_25, %get3A_26] : memref<1x128xf32, #tpu.memory_space<vmem>>, vector<1x128xf32>
    %add3A_28 = vector.broadcast %get3A_27 : vector<1x128xf32> to vector<10112x128xf32>
    %add3A_29 = arith.addf %mul3A_24, %add3A_28 : vector<10112x128xf32>
    %max3A_30 = arith.constant 0.000000e+00 : f32
    %max3A_31 = vector.broadcast %max3A_30 : f32 to vector<10112x128xf32>
    %max3A_32 = arith.maximumf %add3A_29, %max3A_31 : vector<10112x128xf32>
    %get3A_33 = arith.constant 0 : index
    %get3A_34 = arith.constant 0 : index
    %get3A_35 = vector.load %arg4[%get3A_33, %get3A_34] : memref<128x64xf32, #tpu.memory_space<vmem>>, vector<128x64xf32>
    %dot_general3A = arith.constant dense<0.000000e+00> : vector<10112x64xf32>
    %dot_general3A_36 = tpu.matmul %max3A_32, %get3A_35, %dot_general3A {dimension_numbers = #tpu.dot_dimension_numbers<[1], [0], [0], [1], [0, 0, 1, 1], [], []>, transpose_lhs_hint = false} : vector<10112x128xf32>, vector<128x64xf32>, vector<10112x64xf32> -> vector<10112x64xf32>
    %broadcast_in_dim3A_37 = vector.shape_cast %rsqrt3A : vector<10112xf32> to vector<10112x1xf32>
    %mul3A_38 = vector.broadcast %broadcast_in_dim3A_37 : vector<10112x1xf32> to vector<10112x64xf32>
    %mul3A_39 = arith.mulf %dot_general3A_36, %mul3A_38 : vector<10112x64xf32>
    %broadcast_in_dim3A_40 = arith.constant 0.000000e+00 : f32
    %broadcast_in_dim3A_41 = vector.broadcast %broadcast_in_dim3A_40 : f32 to vector<10112x64xf32>
    %concatenate3A = tpu.concatenate %mul3A_39, %broadcast_in_dim3A_41 in 1 : vector<10112x64xf32>, vector<10112x64xf32> -> vector<10112x128xf32>
    %swap3A = arith.constant 0 : index
    %swap3A_42 = arith.constant 0 : index
    %swap3A_43 = vector.load %arg5[%swap3A, %swap3A_42] : memref<10112x128xf32, #tpu.memory_space<vmem>>, vector<10112x128xf32>
    tpu.vector_store %arg5[%swap3A, %swap3A_42], %concatenate3A {strides = array<i32>} : memref<10112x128xf32, #tpu.memory_space<vmem>>, vector<10112x128xf32>,
    return
  }
}

module attributes {stable_mosaic.version = 14 : i64} {
  func.func @body(%arg0: memref<2x10112x128xf32, #tpu.memory_space<vmem>>, %arg1: memref<32x10112xf32, #tpu.memory_space<vmem>>, %arg2: memref<1x64xf32, #tpu.memory_space<vmem>>, %arg3: memref<10000x64xf32, #tpu.memory_space<vmem>>) attributes {dimension_semantics = [], scalar_prefetch = 0 : i64, scratch_operands = 0 : i64, tpu.core_type = #tpu.core_type<tc>} {
    %get3A = arith.constant 0 : index
    %get3A_0 = arith.constant 0 : index
    %get3A_1 = vector.load %arg1[%get3A, %get3A_0] : memref<32x10112xf32, #tpu.memory_space<vmem>>, vector<32x10112xf32>
    %reduce_sum3A = arith.constant dense<0.000000e+00> : vector<10112xf32>
    %reduce_sum3A_2 = vector.multi_reduction <add>, %get3A_1, %reduce_sum3A [0] : vector<32x10112xf32> to vector<10112xf32>
    %max3A = arith.constant 1.000000e+00 : f32
    %max3A_3 = vector.broadcast %max3A : f32 to vector<10112xf32>
    %max3A_4 = arith.maximumf %reduce_sum3A_2, %max3A_3 : vector<10112xf32>
    %rsqrt3A = math.rsqrt %max3A_4 : vector<10112xf32>
    %get3A_5 = arith.constant 0 : index
    %get3A_6 = arith.constant 0 : index
    %get3A_7 = arith.constant 0 : index
    %get3A_8 = vector.load %arg0[%get3A_5, %get3A_6, %get3A_7] : memref<2x10112x128xf32, #tpu.memory_space<vmem>>, vector<1x10112x64xf32>
    %get3A_9 = vector.shape_cast %get3A_8 : vector<1x10112x64xf32> to vector<10112x64xf32>
    %get3A_10 = arith.constant 1 : index
    %get3A_11 = arith.constant 0 : index
    %get3A_12 = arith.constant 0 : index
    %get3A_13 = vector.load %arg0[%get3A_10, %get3A_11, %get3A_12] : memref<2x10112x128xf32, #tpu.memory_space<vmem>>, vector<1x10112x64xf32>
    %get3A_14 = vector.shape_cast %get3A_13 : vector<1x10112x64xf32> to vector<10112x64xf32>
    %add3A = arith.addf %get3A_9, %get3A_14 : vector<10112x64xf32>
    %broadcast_in_dim3A = vector.shape_cast %rsqrt3A : vector<10112xf32> to vector<10112x1xf32>
    %mul3A = vector.broadcast %broadcast_in_dim3A : vector<10112x1xf32> to vector<10112x64xf32>
    %mul3A_15 = arith.mulf %add3A, %mul3A : vector<10112x64xf32>
    %slice3A = vector.extract_strided_slice %mul3A_15 {offsets = [0, 0], sizes = [10000, 64], strides = [1, 1]} : vector<10112x64xf32> to vector<10000x64xf32>
    %get3A_16 = arith.constant 0 : index
    %get3A_17 = arith.constant 0 : index
    %get3A_18 = vector.load %arg2[%get3A_16, %get3A_17] : memref<1x64xf32, #tpu.memory_space<vmem>>, vector<1x64xf32>
    %add3A_19 = vector.broadcast %get3A_18 : vector<1x64xf32> to vector<10000x64xf32>
    %add3A_20 = arith.addf %slice3A, %add3A_19 : vector<10000x64xf32>
    %swap3A = arith.constant 0 : index
    %swap3A_21 = arith.constant 0 : index
    %swap3A_22 = vector.load %arg3[%swap3A, %swap3A_21] : memref<10000x64xf32, #tpu.memory_space<vmem>>, vector<10000x64xf32>
    tpu.vector_store %arg3[%swap3A, %swap3A_21], %add3A_20 {strides = array<i32>} : memref<10000x64xf32, #tpu.memory_space<vmem>>, vector<10000x64xf32>,
    return
  }
}

</mosaic_0001>

<sc_bundles>
// kernel: kernel.11.cloned.1.call-start
scs
__scs_entry_jumppad:
0x0: {  	(pc) =	sbr.rel $0x88, $3  }
0x1: {  	(tag) =	ssettag $0x0;
	lr =	simm.s32 $0x1  }
0x2: {  	[smem:$0x3F9B] =	sst lr;
	_ =	strace $0xD0000000  }
0x3: {  	_ = 	snop  }
0x4: {  	_ = 	snop  }
0x5: {  	_ = 	snop  }
0x6: {  	_ = 	snop  }
0x7: {  	_ = 	snop  }
__scs_overlays_trampoline_lowered:
0x8: {  	[smem:$0x3FAA] =	sst s0  }
0x9: {  	[smem:$0x3FAB] =	sst s1  }
0xa: {  	[smem:$0x3FAC] =	sst s2  }
0xb: {  	[smem:$0x3FAD] =	sst s3  }
0xc: {  	[smem:$0x3FAE] =	sst s4  }
0xd: {  	[smem:$0x3FAF] =	sst s5  }
0xe: {  	[smem:$0x3FB0] =	sst s6  }
0xf: {  	[smem:$0x3FB1] =	sst s7  }
0x10: {  	[smem:$0x3FB2] =	sst s8  }
0x11: {  	[smem:$0x3FB3] =	sst s9;
	s0 =	simm.s32 @!p0 $0x0  }
0x12: {  	s1 =	sld [smem:$0x3F99];
	s0 =	simm.s32 @p0 $0x1  }
0x13: {  	[smem:$0x3FB4] =	sst s0;
	s0 =	simm.s32 @!p1 $0x0  }
0x14: {  	s2 =	sld [smem:$0x3F98];
	s0 =	simm.s32 @p1 $0x1  }
0x15: {  	[smem:$0x3FB5] =	sst s0;
	s0 =	simm.s32 @!p2 $0x0  }
0x16: {  	s3 =	sld [smem:$0x3FDB];
	s0 =	simm.s32 @p2 $0x1  }
0x17: {  	s4 =	simm.s32 $0x1BF5;
	[smem:$0x3FB7] =	sst s0  }
0x18: {  	s0 =	sld [smem:$0x3F9A];
	_ =	swait.ge [sflag:s4], $0x0  }
0x19: {  	s7 =	sld [smem:$0x3F9B]  }
0x1a: {  	s8 =	sadd.s32 $0xFFFFE003, lr  }
0x1b: {  	s9 =	sadd.s32 $0xFFFFFEF7, lr;
	s5 =	simm.s32 $0xFFFFFFFF;
	p2 =	slt.u32 s8, $0xFFFFF086  }
0x1c: {  	p1 =	slt.u32 s9, $0xF7A;
	s5 =	simm.s32 @!p2 $0x0  }
0x1d: {  	s5 =	simm.s32 @p1 $0x1;
	p0 =	seq.s32 s7, s2  }
0x1e: {  	s7 =	smul.u32 @!p0 $0xF7A, s2;
	p2 =	seq.s32 @!p0 s5, $0x0  }
0x1f: {  	s9 =	smul.u32 $0xF7A, s1;
	s8 =	simm.s32 @!p0 $0x1BF5;
	p2 =	por !p2, p0  }
0x20: {  	[sflag:s8] =	ssyncset.s32 @!p0 $0xFFFFF086;
	s6 =	sadd.s32 @!p0 s3, s7;
	s7 =	simm.s32 @!p0 $0x108  }
0x21: {  	s3 =	sadd.s32 s3, s9;
	s6 =	sadd.s32 @!p0 $0x88, s6;
	s7 =	simm.s32 @p2 $0x1082  }
0x22: {  	[simem:s7], [sflag:s8] =	dma.local @!p0 [hbm:s6], $0xF7A  }
0x23: {  	s9 =	sor.u32 $0xD0000000, s2;
	s6 =	simm.s32 $0x108;
	_ =	swait.ge @!p0 [sflag:s8], $0x0  }
0x24: {  	s3 =	sadd.s32 $0x88, s3;
	s6 =	simm.s32 @!p1 $0x1082;
	[sflag:s4] =	ssyncset.s32 $0xFFFFF086  }
0x25: {  	[simem:s6], [sflag:s4] =	dma.local [hbm:s3], $0xF7A  }
0x26: {  	[smem:$0x3F9B] =	sst s1;
	(tag) =	ssettag s2;
	_ =	strace s9  }
0x27: {  	s1 =	sld [smem:$0x3FAB]  }
0x28: {  	s2 =	sld [smem:$0x3FAC]  }
0x29: {  	s4 =	sld [smem:$0x3FAE]  }
0x2a: {  	p0 =	seq.s32 s5, $0x0;
	s5 =	sld [smem:$0x3FAF]  }
0x2b: {  	s6 =	sld [smem:$0x3FB0]  }
0x2c: {  	s7 =	sld [smem:$0x3FB1]  }
0x2d: {  	s3 =	simm.s32 $0x108;
	s8 =	sld [smem:$0x3FB2]  }
0x2e: {  	s3 =	simm.s32 @!p0 $0x1082;
	s9 =	sld [smem:$0x3FB3]  }
0x2f: {  	lr =	sadd.s32 s0, s3;
	s0 =	sld [smem:$0x3FAA]  }
0x30: {  	s3 =	sld [smem:$0x3FAD]  }
0x31: {  	[smem:$0x3FB6] =	sst s10  }
0x32: {  	s10 =	sld [smem:$0x3FB4];
	_ =	sdelay $0x3  }
0x33: {  	p0 =	seq.s32 s10, $0x1;
	s10 =	sld [smem:$0x3FB6];
	_ =	sdelay $0x3  }
0x34: {  	[smem:$0x3FB6] =	sst s10  }
0x35: {  	s10 =	sld [smem:$0x3FB5];
	_ =	sdelay $0x3  }
0x36: {  	p1 =	seq.s32 s10, $0x1;
	s10 =	sld [smem:$0x3FB6];
	_ =	sdelay $0x3  }
0x37: {  	[smem:$0x3FB6] =	sst s10  }
0x38: {  	s10 =	sld [smem:$0x3FB7]  }
0x39: {  	_ = 	snop;
	(pc) =	sbr.ind lr, $3  }
0x3a: {  	_ = 	snop  }
0x3b: {  	_ = 	snop  }
0x3c: {  	p2 =	seq.s32 s10, $0x1;
	s10 =	sld [smem:$0x3FB6]  }
0x3d: {  	_ =	shalt  }
0x3e: {  	_ =	shalt  }
0x3f: {  	_ =	shalt  }
0x40: {  	_ =	shalt  }
0x41: {  	_ =	shalt  }
0x42: {  	_ =	shalt  }
0x43: {  	_ =	shalt  }
0x44: {  	_ =	shalt  }
0x45: {  	_ =	shalt  }
0x46: {  	_ =	shalt  }
0x47: {  	_ =	shalt  }
0x48: {  	_ =	shalt  }
0x49: {  	_ =	shalt  }
0x4a: {  	_ =	shalt  }
0x4b: {  	_ =	shalt  }
0x4c: {  	_ =	shalt  }
0x4d: {  	_ =	shalt  }
0x4e: {  	_ =	shalt  }
0x4f: {  	_ =	shalt  }
0x50: {  	_ =	shalt  }
0x51: {  	_ =	shalt  }
0x52: {  	_ =	shalt  }
0x53: {  	_ =	shalt  }
0x54: {  	_ =	shalt  }
0x55: {  	_ =	shalt  }
0x56: {  	_ =	shalt  }
0x57: {  	_ =	shalt  }
0x58: {  	_ =	shalt  }
0x59: {  	_ =	shalt  }
0x5a: {  	_ =	shalt  }
0x5b: {  	_ =	shalt  }
0x5c: {  	_ =	shalt  }
0x5d: {  	_ =	shalt  }
0x5e: {  	_ =	shalt  }
0x5f: {  	_ =	shalt  }
0x60: {  	_ =	shalt  }
0x61: {  	_ =	shalt  }
0x62: {  	_ =	shalt  }
0x63: {  	_ =	shalt  }
0x64: {  	_ =	shalt  }
0x65: {  	_ =	shalt  }
0x66: {  	_ =	shalt  }
0x67: {  	_ =	shalt  }
0x68: {  	_ =	shalt  }
0x69: {  	_ =	shalt  }
0x6a: {  	_ =	shalt  }
0x6b: {  	_ =	shalt  }
0x6c: {  	_ =	shalt  }
0x6d: {  	_ =	shalt  }
0x6e: {  	_ =	shalt  }
0x6f: {  	_ =	shalt  }
0x70: {  	_ =	shalt  }
0x71: {  	_ =	shalt  }
0x72: {  	_ =	shalt  }
0x73: {  	_ =	shalt  }
0x74: {  	_ =	shalt  }
0x75: {  	_ =	shalt  }
0x76: {  	_ =	shalt  }
0x77: {  	_ =	shalt  }
0x78: {  	_ =	shalt  }
0x79: {  	_ =	shalt  }
0x7a: {  	_ =	shalt  }
0x7b: {  	_ =	shalt  }
0x7c: {  	_ =	shalt  }
0x7d: {  	_ =	shalt  }
0x7e: {  	_ =	shalt  }
0x7f: {  	_ =	shalt  }
0x80: {  	_ =	shalt  }
0x81: {  	_ =	shalt  }
0x82: {  	_ =	shalt  }
0x83: {  	_ =	shalt  }
0x84: {  	_ =	shalt  }
0x85: {  	_ =	shalt  }
0x86: {  	_ =	shalt  }
0x87: {  	_ =	shalt  }
.Lfunc_end0:
.L_simem_size_0:
called_computation.1_lowered:
.L_overlay_start_0:
0x88: {  	s2 =	sld [smem:$0x3FD9]  }
0x89: {  	s3 =	sld [smem:$0x3FFE];
	_ =	sdelay $0x1  }
0x8a: {  	s1 =	srdreg.scid  }
0x8b: {  	s0 =	sand.u32 $0x1, s1  }
0x8c: {  	s17 =	sshll.u32 s0, $0xA;
	s2 =	sadd.s32 s3, s2  }
0x8d: {  	s2 =	sadd.s32 s2, s17  }
0x8e: {  	[smem:$0x3FC2] =	sst s2  }
0x8f: {  	_ = 	snop  }
0x90: {  	s2 =	sld [smem:$0x3FD0];
	(tm) =	ssettm $0x1  }
0x91: {  	s18 =	sld [smem:$0x3FFB];
	_ =	sdelay $0x3  }
0x92: {  	_ =	strace s18  }
0x93: {  	s3 =	sld [smem:$0x3FFC];
	_ =	sdelay $0x3  }
0x94: {  	_ =	strace s3  }
0x95: {  	s3 =	sld [smem:$0x3FFD];
	_ =	sdelay $0x3  }
0x96: {  	_ =	strace s3  }
0x97: {  	_ =	strace $0x8FFFFFFF  }
0x98: {  	s19 =	sld [smem:$0x3FDB];
	_ =	sdelay $0x1  }
0x99: {  	s4 =	simm.s32 $_scs_section_size  }
0x9a: {  	s5 =	simm.s32 $_size__tile_overlayer_lowered;
	s6 =	simm.s32 $_tile_overlayer_lowered  }
0x9b: {  	s22 =	simm.s32 $0x1BFF;
	s21 =	sshll.u32 s6, $0x1;
	s3 =	sadd.s32 s4, s19  }
0x9c: {  	s7 =	simm.s32 $0x0;
	s20 =	sshll.u32 s5, $0x1;
	s5 =	sadd.s32 s21, s3  }
0x9d: {  	[timem:s7], [sflag:s22] =	dma.local [hbm:s5], s20  }
0x9e: {  	_ =	swait.ge [sflag:s22], s20  }
0x9f: {  	s4 =	ssub.s32 $0x0, s20;
	[sflag:s22] =	ssyncset.done $0x0  }
0xa0: {  	[sflag:s22] =	ssyncadd.s32 s4;
	_ =	sdelay $0x1  }
0xa1: {  	s23 =	simm.s32 $0x1B8B  }
0xa2: {  	_ =	swait.ge [sflag:s23], $0x1  }
0xa3: {  	[sflag:s23] =	ssyncset.done $0x0  }
0xa4: {  	s25 =	simm.s32 $0x1B8E;
	s24 =	sld [smem:$0x3FFE];
	[sflag:s23] =	ssyncadd.s32 $0xFFFFFFFF  }
0xa5: {  	s26 =	simm.s32 $execute0_lowered;
	[smem:$0x3FD2] =	sst s25  }
0xa6: {  	s5 =	sshll.u32 s26, $0x1;
	_ =	strace $0x80000049;
	[dreg:$0x1] =	wrdreg $0xFFFFFFFF  }
0xa7: {  	s28 =	simm.s32 $_size_execute0_lowered;
	s3 =	sadd.s32 s3, s5;
	[dreg:$0x0] =	wrdreg $0x0  }
0xa8: {  	s5 =	sshll.u32 s28, $0x1;
	[dreg:$0x2] =	wrdreg s3  }
0xa9: {  	[dreg:$0x3] =	wrdreg s5  }
0xaa: {  	[dreg:$0x4] =	wrdreg $0xC0  }
0xab: {  	_ =	task [dreg:s7], $0x5FFFF  }
0xac: {  	[dreg:$0x1] =	wrdreg $0xFFFFFFFF  }
0xad: {  	[dreg:$0x0] =	wrdreg $0x60  }
0xae: {  	[dreg:$0x2] =	wrdreg s24  }
0xaf: {  	[dreg:$0x3] =	wrdreg s2  }
0xb0: {  	[dreg:$0x4] =	wrdreg $0xA8000  }
0xb1: {  	[dreg:$0x5] =	wrdreg $0x9  }
0xb2: {  	_ =	task.clear_ibuf [dreg:s7], $0x6FFFF;
	_ =	strace $0x90000049  }
0xb3: {  	s29 =	simm.s32 $0x9;
	_ =	strace $0x8000004B  }
0xb4: {  	_ =	swait.ge [sflag:s29], $0x1  }
0xb5: {  	[sflag:s29] =	ssyncadd.s32 $0xFFFFFFFF  }
0xb6: {  	_ =	strace $0x9000004B  }
0xb7: {  	_ =	sfence  }
0xb8: {  	s30 =	sld [smem:$0x0];
	_ =	sdelay $0x2  }
0xb9: {  	s31 =	sshll.u32 s1, $0xD;
	s1 =	sshrl.u32 s1, $0x2  }
0xba: {  	s3 =	sand.u32 $0x4000, s31;
	s1 =	sadd.s32 s1, s30  }
0xbb: {  	s0 =	sor.u32 s3, s0;
	s1 =	sshll.u32 s1, $0x11  }
0xbc: {  	s0 =	sor.u32 s1, s0  }
0xbd: {  	s0 =	sadd.s32 $0x8F2B, s0  }
0xbe: {  	[sflag:s0] =	ssyncadd.remote.s32 $0x1  }
0xbf: {  	_ =	sfence.sel $0xFFFF  }
0xc0: {  	[dreg:$0x0] =	wrdreg $0xFFFFFFFF;
	(pc) =	sbr.abs _section_cstart, $3  }
0xc1: {  	[dreg:$0x1] =	wrdreg $0xFFFFFFFF  }
0xc2: {  	_ =	task.clear_ibuf [dreg:s7], $0x2FFFF;
	_ =	strace $0x9FFFFFFF  }
0xc3: {  	(tm) =	ssettm $0x7FFFFFFF  }
tec
execute0_lowered:
.L_overlay_start_1:
0x0: {  	(tag) =	ssettag $0x1  }
0x1: {  	s6 =	rddreg [dreg:$0x0]  }
0x2: {  	s9 =	rddreg [dreg:$0x1]  }
0x3: {  	s1 =	rddreg [dreg:$0x2]  }
0x4: {  	s0 =	rddreg [dreg:$0x3];
	s2 =	simm.s32 $0x0  }
0x5: {  	s3 =	srdreg.scid;
	s15 =	simm.s32 $0x80;
	s16 =	simm.s32 $0x2800  }
0x6: {  	s17 =	simm.s32 $0x6800;
	s18 =	simm.s32 $0x1;
	s19 =	simm.s32 $0x2  }
0x7: {  	s20 =	simm.s32 $0x2700;
	s21 =	simm.s32 $0x2780;
	[smem:$0x7FF] =	sst s2  }
0x8: {  	s4 =	sadd.s32 $0x20600, s6;
	s10 =	sadd.s32 $0x2400, s6;
	s5 =	sand.u32 $0x1, s3  }
0x9: {  	s3 =	stileid.u32;
	_ =	strace $0x8000004A;
	s7 =	smul.u32 $0x27800, s5  }
0xa: {  	s8 =	sshll.u32 s5, $0x4;
	s11 =	ssub.s32 $0x2, s5;
	s12 =	smul.u32 $0x4F000, s3  }
0xb: {  	s5 =	sadd.s32 $0xC400, s6;
	s23 =	smul.u32 $0x2780, s3;
	s8 =	sor.u32 s3, s8  }
0xc: {  	s30 =	sshll.u32 s3, $0x6;
	s13 =	sshrl.u32 s11, $0x1;
	s8 =	smul.u32 $0x2800, s8  }
0xd: {  	s14 =	sadd.s32 s7, s6;
	s11 =	ssub.s32 s11, s13;
	s29 =	sshrl.u32 s12, $0x2  }
0xe: {  	s6 =	sor.u32 $0x1C03, s30;
	s13 =	simm.s32 $0x3;
	s12 =	sadd.s32 s29, s1  }
0xf: {  	s22 =	sadd.s32 $0x47E00, s14;
	s11 =	smax.u32 s11, $0x1;
	s14 =	simm.s32 $0x1400  }
0x10: {  	s8 =	sshrl.u32 s8, $0x3;
	s12 =	sshrl.u32 s12, $0x3;
	s22 =	sadd.s32 s23, s22  }
0x11: {  	s23 =	simm.s32 $0x0;
	s7 =	sadd.s32 s9, s8;
	s31 =	sadd.s32 $0x280, s8  }
0x12: {  	s8 =	sadd.s32 s10, s8;
	s9 =	sadd.s32 s9, s31;
	s10 =	sadd.s32 s10, s31  }
.LBB2_1:
0x13: {  	[spmem:s12], [sflag:s6] =	dma.local [hbm:s5], $0x2780  }
0x14: {  	_ =	swait.ge [sflag:s13], $0x2780  }
0x15: {  	[sflag:s13] =	ssyncset.done $0x0  }
0x16: {  	[sflag:s13] =	ssyncadd.s32 $0xFFFFD880  }
0x17: {  	[bflag:$0x0] =	sbarrier.arrive $0xFFFF  }
0x18: {  	[tilespmem:s2], [sflag:$0x3] =	stream.linear.gather [hbm4b:s7+s2], $0x1400, $0x38;
	[tilespmem:$0x1E400] =	vst v63  }
0x19: {  	_ =	swait.ge [sflag:s13], $0x1400  }
0x1a: {  	[sflag:s13] =	ssyncset.done $0x0  }
0x1b: {  	[sflag:s13] =	ssyncadd.s32 $0xFFFFEC00  }
0x1c: {  	[tilespmem:s14], [sflag:$0x3] =	stream.linear.gather [hbm4b:s8+s2], $0x1400, $0x38;
	[tilespmem:$0x1E400] =	vst v63  }
0x1d: {  	_ =	swait.ge [sflag:s13], $0x1400  }
0x1e: {  	[sflag:s13] =	ssyncset.done $0x0  }
0x1f: {  	[sflag:s13] =	ssyncadd.s32 $0xFFFFEC00  }
0x20: {  	[tilespmem:s16], [sflag:$0x1] =	stream.indirect.gather [hbm4b:s4+s15], $0x80, s2, s15, $0xb8;
	[tilespmem:$0x1E400] =	vst v63  }
0x21: {  	_ = 	snop  }
0x22: {  	[tilespmem:s17], [sflag:$0x2] =	stream.indirect.gather [hbm4b:s4+s15], $0x80, s15, s15, $0xb8;
	[tilespmem:$0x1E400] =	vst v63  }
0x23: {  	_ =	swait.ge [sflag:s18], $0x4000  }
0x24: {  	[sflag:s18] =	ssyncset.done $0x0  }
0x25: {  	s24 =	simm.s32 $0x1400;
	[sflag:s18] =	ssyncadd.s32 $0xFFFFC000  }
0x26: {  	[spmem:s1] =	stream.indirect.scatter.add.f32 [tilespmem:s16], [sflag:$0x3], $0x80, s24, s15, $0xb8;
	[tilespmem:$0x1E400] =	vst v63  }
0x27: {  	_ =	swait.ge [sflag:s13], $0x4000  }
0x28: {  	[sflag:s13] =	ssyncset.done $0x0  }
0x29: {  	s30 =	simm.s32 $0x100;
	[sflag:s13] =	ssyncadd.s32 $0xFFFFC000  }
0x2a: {  	[tilespmem:s16], [sflag:$0x1] =	stream.indirect.gather [hbm4b:s4+s15], $0x80, s30, s15, $0xb8;
	[tilespmem:$0x1E400] =	vst v63  }
0x2b: {  	_ =	swait.ge [sflag:s19], $0x4000  }
0x2c: {  	[sflag:s19] =	ssyncset.done $0x0  }
0x2d: {  	s31 =	simm.s32 $0x1480;
	[sflag:s19] =	ssyncadd.s32 $0xFFFFC000  }
0x2e: {  	[spmem:s1] =	stream.indirect.scatter.add.f32 [tilespmem:s17], [sflag:$0x3], $0x80, s31, s15, $0xb8;
	[tilespmem:$0x1E400] =	vst v63  }
0x2f: {  	_ =	swait.ge [sflag:s13], $0x4000  }
0x30: {  	[sflag:s13] =	ssyncset.done $0x0  }
0x31: {  	s25 =	simm.s32 $0x180;
	s24 =	simm.s32 $0x400;
	[sflag:s13] =	ssyncadd.s32 $0xFFFFC000  }
.LBB2_2:
0x32: {  	[tilespmem:s17], [sflag:$0x2] =	stream.indirect.gather [hbm4b:s4+s15], $0x80, s25, s15, $0xb8;
	[tilespmem:$0x1E400] =	vst v63  }
0x33: {  	s25 =	smov.u32 s24  }
0x34: {  	p0 =	sne.s32 s24, $0x4800;
	s24 =	sadd.s32 $0x400, s24;
	_ =	swait.ge [sflag:s18], $0x4000  }
0x35: {  	s25 =	sshra.s32 s25, $0x2;
	[sflag:s18] =	ssyncset.done $0x0  }
0x36: {  	s26 =	sadd.s32 $0x1400, s25;
	[sflag:s18] =	ssyncadd.s32 $0xFFFFC000  }
0x37: {  	[spmem:s1] =	stream.indirect.scatter.add.f32 [tilespmem:s16], [sflag:$0x3], $0x80, s26, s15, $0xb8;
	[tilespmem:$0x1E400] =	vst v63  }
0x38: {  	_ =	swait.ge [sflag:s13], $0x4000  }
0x39: {  	[sflag:s13] =	ssyncset.done $0x0  }
0x3a: {  	s26 =	sadd.s32 $0x100, s25;
	[sflag:s13] =	ssyncadd.s32 $0xFFFFC000  }
0x3b: {  	[tilespmem:s16], [sflag:$0x1] =	stream.indirect.gather [hbm4b:s4+s15], $0x80, s26, s15, $0xb8;
	[tilespmem:$0x1E400] =	vst v63  }
0x3c: {  	_ =	swait.ge [sflag:s19], $0x4000  }
0x3d: {  	[sflag:s19] =	ssyncset.done $0x0  }
.Ltmp0:
0x3e: {  	s26 =	sadd.s32 $0x1480, s25;
	[sflag:s19] =	ssyncadd.s32 $0xFFFFC000;
	(pc) =	sbr.rel @p0 .LBB2_2-.Ltmp0, $4  }
0x3f: {  	[spmem:s1] =	stream.indirect.scatter.add.f32 [tilespmem:s17], [sflag:$0x3], $0x80, s26, s15, $0xb8;
	[tilespmem:$0x1E400] =	vst v63  }
0x40: {  	_ =	swait.ge [sflag:s13], $0x4000  }
0x41: {  	[sflag:s13] =	ssyncset.done $0x0  }
0x42: {  	s25 =	sadd.s32 $0x180, s25;
	[sflag:s13] =	ssyncadd.s32 $0xFFFFC000  }
0x43: {  	[tilespmem:s17], [sflag:$0x2] =	stream.indirect.gather [hbm4b:s4+s15], $0x80, s25, s15, $0xb8;
	[tilespmem:$0x1E400] =	vst v63  }
0x44: {  	_ =	swait.ge [sflag:s18], $0x4000  }
0x45: {  	[sflag:s18] =	ssyncset.done $0x0  }
0x46: {  	[sflag:s18] =	ssyncadd.s32 $0xFFFFC000  }
0x47: {  	[spmem:s1] =	stream.indirect.scatter.add.f32 [tilespmem:s16], [sflag:$0x3], $0x80, s20, s15, $0xb8;
	[tilespmem:$0x1E400] =	vst v63  }
0x48: {  	_ =	swait.ge [sflag:s13], $0x4000  }
0x49: {  	[sflag:s13] =	ssyncset.done $0x0  }
0x4a: {  	[sflag:s13] =	ssyncadd.s32 $0xFFFFC000  }
0x4b: {  	_ =	swait.ge [sflag:s19], $0x4000  }
0x4c: {  	[sflag:s19] =	ssyncset.done $0x0  }
0x4d: {  	[sflag:s19] =	ssyncadd.s32 $0xFFFFC000  }
0x4e: {  	[spmem:s1] =	stream.indirect.scatter.add.f32 [tilespmem:s17], [sflag:$0x3], $0x80, s21, s15, $0xb8;
	[tilespmem:$0x1E400] =	vst v63  }
0x4f: {  	_ =	swait.ge [sflag:s13], $0x4000  }
0x50: {  	[sflag:s13] =	ssyncset.done $0x0  }
0x51: {  	s24 =	simm.s32 $0x0;
	[sflag:s13] =	ssyncadd.s32 $0xFFFFC000  }
0x52: {  	[tilespmem:s24], [sflag:$0x3] =	stream.linear.gather [hbm4b:s9+s24], $0x1400, $0x38;
	[tilespmem:$0x1E400] =	vst v63  }
0x53: {  	_ =	swait.ge [sflag:s13], $0x1400  }
0x54: {  	[sflag:s13] =	ssyncset.done $0x0  }
0x55: {  	[sflag:s13] =	ssyncadd.s32 $0xFFFFEC00  }
0x56: {  	[tilespmem:s14], [sflag:$0x3] =	stream.linear.gather [hbm4b:s10+s24], $0x1400, $0x38;
	[tilespmem:$0x1E400] =	vst v63  }
0x57: {  	_ =	swait.ge [sflag:s13], $0x1400  }
0x58: {  	[sflag:s13] =	ssyncset.done $0x0  }
0x59: {  	[sflag:s13] =	ssyncadd.s32 $0xFFFFEC00  }
0x5a: {  	[tilespmem:s16], [sflag:$0x1] =	stream.indirect.gather [hbm4b:s4+s15], $0x80, s24, s15, $0xb8;
	[tilespmem:$0x1E400] =	vst v63  }
0x5b: {  	_ = 	snop  }
0x5c: {  	[tilespmem:s17], [sflag:$0x2] =	stream.indirect.gather [hbm4b:s4+s15], $0x80, s15, s15, $0xb8;
	[tilespmem:$0x1E400] =	vst v63  }
0x5d: {  	_ =	swait.ge [sflag:s18], $0x4000  }
0x5e: {  	[sflag:s18] =	ssyncset.done $0x0  }
0x5f: {  	s29 =	simm.s32 $0x1400;
	[sflag:s18] =	ssyncadd.s32 $0xFFFFC000  }
0x60: {  	[spmem:s1] =	stream.indirect.scatter.add.f32 [tilespmem:s16], [sflag:$0x3], $0x80, s29, s15, $0xb8;
	[tilespmem:$0x1E400] =	vst v63  }
0x61: {  	_ =	swait.ge [sflag:s13], $0x4000  }
0x62: {  	[sflag:s13] =	ssyncset.done $0x0  }
0x63: {  	s30 =	simm.s32 $0x100;
	[sflag:s13] =	ssyncadd.s32 $0xFFFFC000  }
0x64: {  	[tilespmem:s16], [sflag:$0x1] =	stream.indirect.gather [hbm4b:s4+s15], $0x80, s30, s15, $0xb8;
	[tilespmem:$0x1E400] =	vst v63  }
0x65: {  	_ =	swait.ge [sflag:s19], $0x4000  }
0x66: {  	[sflag:s19] =	ssyncset.done $0x0  }
0x67: {  	s31 =	simm.s32 $0x1480;
	[sflag:s19] =	ssyncadd.s32 $0xFFFFC000  }
0x68: {  	[spmem:s1] =	stream.indirect.scatter.add.f32 [tilespmem:s17], [sflag:$0x3], $0x80, s31, s15, $0xb8;
	[tilespmem:$0x1E400] =	vst v63  }
0x69: {  	_ =	swait.ge [sflag:s13], $0x4000  }
0x6a: {  	[sflag:s13] =	ssyncset.done $0x0  }
0x6b: {  	s25 =	simm.s32 $0x180;
	s24 =	simm.s32 $0x400;
	[sflag:s13] =	ssyncadd.s32 $0xFFFFC000  }
.LBB2_4:
0x6c: {  	[tilespmem:s17], [sflag:$0x2] =	stream.indirect.gather [hbm4b:s4+s15], $0x80, s25, s15, $0xb8;
	[tilespmem:$0x1E400] =	vst v63  }
0x6d: {  	s25 =	smov.u32 s24  }
0x6e: {  	p0 =	sne.s32 s24, $0x4800;
	s24 =	sadd.s32 $0x400, s24;
	_ =	swait.ge [sflag:s18], $0x4000  }
0x6f: {  	s25 =	sshra.s32 s25, $0x2;
	[sflag:s18] =	ssyncset.done $0x0  }
0x70: {  	s26 =	sadd.s32 $0x1400, s25;
	[sflag:s18] =	ssyncadd.s32 $0xFFFFC000  }
0x71: {  	[spmem:s1] =	stream.indirect.scatter.add.f32 [tilespmem:s16], [sflag:$0x3], $0x80, s26, s15, $0xb8;
	[tilespmem:$0x1E400] =	vst v63  }
0x72: {  	_ =	swait.ge [sflag:s13], $0x4000  }
0x73: {  	[sflag:s13] =	ssyncset.done $0x0  }
0x74: {  	s26 =	sadd.s32 $0x100, s25;
	[sflag:s13] =	ssyncadd.s32 $0xFFFFC000  }
0x75: {  	[tilespmem:s16], [sflag:$0x1] =	stream.indirect.gather [hbm4b:s4+s15], $0x80, s26, s15, $0xb8;
	[tilespmem:$0x1E400] =	vst v63  }
0x76: {  	_ =	swait.ge [sflag:s19], $0x4000  }
0x77: {  	[sflag:s19] =	ssyncset.done $0x0  }
.Ltmp1:
0x78: {  	s26 =	sadd.s32 $0x1480, s25;
	[sflag:s19] =	ssyncadd.s32 $0xFFFFC000;
	(pc) =	sbr.rel @p0 .LBB2_4-.Ltmp1, $4  }
0x79: {  	[spmem:s1] =	stream.indirect.scatter.add.f32 [tilespmem:s17], [sflag:$0x3], $0x80, s26, s15, $0xb8;
	[tilespmem:$0x1E400] =	vst v63  }
0x7a: {  	_ =	swait.ge [sflag:s13], $0x4000  }
0x7b: {  	[sflag:s13] =	ssyncset.done $0x0  }
0x7c: {  	s25 =	sadd.s32 $0x180, s25;
	[sflag:s13] =	ssyncadd.s32 $0xFFFFC000  }
0x7d: {  	[tilespmem:s17], [sflag:$0x2] =	stream.indirect.gather [hbm4b:s4+s15], $0x80, s25, s15, $0xb8;
	[tilespmem:$0x1E400] =	vst v63  }
0x7e: {  	_ =	swait.ge [sflag:s18], $0x4000  }
0x7f: {  	[sflag:s18] =	ssyncset.done $0x0  }
0x80: {  	[sflag:s18] =	ssyncadd.s32 $0xFFFFC000  }
0x81: {  	[spmem:s1] =	stream.indirect.scatter.add.f32 [tilespmem:s16], [sflag:$0x3], $0x80, s20, s15, $0xb8;
	[tilespmem:$0x1E400] =	vst v63  }
0x82: {  	_ =	swait.ge [sflag:s13], $0x4000  }
0x83: {  	[sflag:s13] =	ssyncset.done $0x0  }
0x84: {  	[sflag:s13] =	ssyncadd.s32 $0xFFFFC000  }
0x85: {  	_ =	swait.ge [sflag:s19], $0x4000  }
0x86: {  	[sflag:s19] =	ssyncset.done $0x0  }
0x87: {  	[sflag:s19] =	ssyncadd.s32 $0xFFFFC000  }
0x88: {  	[spmem:s1] =	stream.indirect.scatter.add.f32 [tilespmem:s17], [sflag:$0x3], $0x80, s21, s15, $0xb8;
	[tilespmem:$0x1E400] =	vst v63  }
0x89: {  	_ =	swait.ge [sflag:s13], $0x4000  }
0x8a: {  	s23 =	sadd.s32 $0x1, s23;
	[sflag:s13] =	ssyncset.done $0x0  }
0x8b: {  	p0 =	sne.s32 s23, s11;
	[sflag:s13] =	ssyncadd.s32 $0xFFFFC000  }
.Ltmp2:
0x8c: {  	[bflag:$0x0] =	sbarrier.arrive $0xFFFF;
	(pc) =	sbr.rel @p0 .LBB2_1-.Ltmp2, $4  }
0x8d: {  	[hbm:s22], [sflag:s6] =	dma.local [spmem:s12], $0x2780  }
0x8e: {  	_ =	swait.ge [sflag:s13], $0x2780  }
0x8f: {  	[sflag:s13] =	ssyncset.done $0x0  }
0x90: {  	[sflag:s13] =	ssyncadd.s32 $0xFFFFD880  }
0x91: {  	_ =	sfence.sel $0x180000  }
0x92: {  	[bflag:$0x0] =	sbarrier.arrive $0xFFFF  }
0x93: {  	p0 =	sne.s32 s3, $0x0;
	_ =	strace $0x9000004A  }
0x94: {  	s0 =	sadd.s32 @!p0 $0x100000, s0;
	[bflag:$0x2] =	sbarrier.arrive $0xFFFF  }
0x95: {  	[sflag:s0] =	ssyncadd.tile.s32 @!p0 $0x1;
	_ =	shalt  }
.Lfunc_end2:
_tile_overlayer_lowered:
.L_overlay_start_2:
0x96: {  	(tag) =	ssettag $0x2  }
0x97: {  	s0 =	rddreg [dreg:$0x0];
	s2 =	stileid.u32  }
0x98: {  	s1 =	rddreg [dreg:$0x1];
	p0 =	sne.s32 s2, $0x0  }
0x99: {  	s3 =	rddreg [dreg:$0x2];
	[bflag:$0x3] =	sbarrier.arrive $0xFFFF;
	s2 =	simm.s32 @!p0 $0x1C03  }
0x9a: {  	[timem:s3], [sflag:s2] =	dma.local @!p0 [hbm:s0], s1  }
0x9b: {  	s0 =	simm.s32 @!p0 $0x3  }
0x9c: {  	_ =	swait.ge @!p0 [sflag:s0], s1  }
0x9d: {  	s1 =	ssub.s32 @!p0 $0x0, s1;
	[sflag:s0] =	ssyncset.done @!p0 $0x0  }
0x9e: {  	[sflag:s0] =	ssyncadd.s32 @!p0 s1  }
0x9f: {  	[bflag:$0x3] =	sbarrier.arrive $0xFFFF  }
0xa0: {  	_ =	shalt  }

// kernel: kernel.14.cloned.1.call-start
scs
__scs_entry_jumppad:
0x0: {  	(pc) =	sbr.rel $0x88, $3  }
0x1: {  	(tag) =	ssettag $0x0;
	lr =	simm.s32 $0x1  }
0x2: {  	[smem:$0x3F9B] =	sst lr;
	_ =	strace $0xD0000000  }
0x3: {  	_ = 	snop  }
0x4: {  	_ = 	snop  }
0x5: {  	_ = 	snop  }
0x6: {  	_ = 	snop  }
0x7: {  	_ = 	snop  }
__scs_overlays_trampoline_lowered:
0x8: {  	[smem:$0x3FAA] =	sst s0  }
0x9: {  	[smem:$0x3FAB] =	sst s1  }
0xa: {  	[smem:$0x3FAC] =	sst s2  }
0xb: {  	[smem:$0x3FAD] =	sst s3  }
0xc: {  	[smem:$0x3FAE] =	sst s4  }
0xd: {  	[smem:$0x3FAF] =	sst s5  }
0xe: {  	[smem:$0x3FB0] =	sst s6  }
0xf: {  	[smem:$0x3FB1] =	sst s7  }
0x10: {  	[smem:$0x3FB2] =	sst s8  }
0x11: {  	[smem:$0x3FB3] =	sst s9;
	s0 =	simm.s32 @!p0 $0x0  }
0x12: {  	s1 =	sld [smem:$0x3F99];
	s0 =	simm.s32 @p0 $0x1  }
0x13: {  	[smem:$0x3FB4] =	sst s0;
	s0 =	simm.s32 @!p1 $0x0  }
0x14: {  	s2 =	sld [smem:$0x3F98];
	s0 =	simm.s32 @p1 $0x1  }
0x15: {  	[smem:$0x3FB5] =	sst s0;
	s0 =	simm.s32 @!p2 $0x0  }
0x16: {  	s3 =	sld [smem:$0x3FDB];
	s0 =	simm.s32 @p2 $0x1  }
0x17: {  	s4 =	simm.s32 $0x1BF5;
	[smem:$0x3FB7] =	sst s0  }
0x18: {  	s0 =	sld [smem:$0x3F9A];
	_ =	swait.ge [sflag:s4], $0x0  }
0x19: {  	s7 =	sld [smem:$0x3F9B]  }
0x1a: {  	s8 =	sadd.s32 $0xFFFFE003, lr  }
0x1b: {  	s9 =	sadd.s32 $0xFFFFFEF7, lr;
	s5 =	simm.s32 $0xFFFFFFFF;
	p2 =	slt.u32 s8, $0xFFFFF086  }
0x1c: {  	p1 =	slt.u32 s9, $0xF7A;
	s5 =	simm.s32 @!p2 $0x0  }
0x1d: {  	s5 =	simm.s32 @p1 $0x1;
	p0 =	seq.s32 s7, s2  }
0x1e: {  	s7 =	smul.u32 @!p0 $0xF7A, s2;
	p2 =	seq.s32 @!p0 s5, $0x0  }
0x1f: {  	s9 =	smul.u32 $0xF7A, s1;
	s8 =	simm.s32 @!p0 $0x1BF5;
	p2 =	por !p2, p0  }
0x20: {  	[sflag:s8] =	ssyncset.s32 @!p0 $0xFFFFF086;
	s6 =	sadd.s32 @!p0 s3, s7;
	s7 =	simm.s32 @!p0 $0x108  }
0x21: {  	s3 =	sadd.s32 s3, s9;
	s6 =	sadd.s32 @!p0 $0x88, s6;
	s7 =	simm.s32 @p2 $0x1082  }
0x22: {  	[simem:s7], [sflag:s8] =	dma.local @!p0 [hbm:s6], $0xF7A  }
0x23: {  	s9 =	sor.u32 $0xD0000000, s2;
	s6 =	simm.s32 $0x108;
	_ =	swait.ge @!p0 [sflag:s8], $0x0  }
0x24: {  	s3 =	sadd.s32 $0x88, s3;
	s6 =	simm.s32 @!p1 $0x1082;
	[sflag:s4] =	ssyncset.s32 $0xFFFFF086  }
0x25: {  	[simem:s6], [sflag:s4] =	dma.local [hbm:s3], $0xF7A  }
0x26: {  	[smem:$0x3F9B] =	sst s1;
	(tag) =	ssettag s2;
	_ =	strace s9  }
0x27: {  	s1 =	sld [smem:$0x3FAB]  }
0x28: {  	s2 =	sld [smem:$0x3FAC]  }
0x29: {  	s4 =	sld [smem:$0x3FAE]  }
0x2a: {  	p0 =	seq.s32 s5, $0x0;
	s5 =	sld [smem:$0x3FAF]  }
0x2b: {  	s6 =	sld [smem:$0x3FB0]  }
0x2c: {  	s7 =	sld [smem:$0x3FB1]  }
0x2d: {  	s3 =	simm.s32 $0x108;
	s8 =	sld [smem:$0x3FB2]  }
0x2e: {  	s3 =	simm.s32 @!p0 $0x1082;
	s9 =	sld [smem:$0x3FB3]  }
0x2f: {  	lr =	sadd.s32 s0, s3;
	s0 =	sld [smem:$0x3FAA]  }
0x30: {  	s3 =	sld [smem:$0x3FAD]  }
0x31: {  	[smem:$0x3FB6] =	sst s10  }
0x32: {  	s10 =	sld [smem:$0x3FB4];
	_ =	sdelay $0x3  }
0x33: {  	p0 =	seq.s32 s10, $0x1;
	s10 =	sld [smem:$0x3FB6];
	_ =	sdelay $0x3  }
0x34: {  	[smem:$0x3FB6] =	sst s10  }
0x35: {  	s10 =	sld [smem:$0x3FB5];
	_ =	sdelay $0x3  }
0x36: {  	p1 =	seq.s32 s10, $0x1;
	s10 =	sld [smem:$0x3FB6];
	_ =	sdelay $0x3  }
0x37: {  	[smem:$0x3FB6] =	sst s10  }
0x38: {  	s10 =	sld [smem:$0x3FB7]  }
0x39: {  	_ = 	snop;
	(pc) =	sbr.ind lr, $3  }
0x3a: {  	_ = 	snop  }
0x3b: {  	_ = 	snop  }
0x3c: {  	p2 =	seq.s32 s10, $0x1;
	s10 =	sld [smem:$0x3FB6]  }
0x3d: {  	_ =	shalt  }
0x3e: {  	_ =	shalt  }
0x3f: {  	_ =	shalt  }
0x40: {  	_ =	shalt  }
0x41: {  	_ =	shalt  }
0x42: {  	_ =	shalt  }
0x43: {  	_ =	shalt  }
0x44: {  	_ =	shalt  }
0x45: {  	_ =	shalt  }
0x46: {  	_ =	shalt  }
0x47: {  	_ =	shalt  }
0x48: {  	_ =	shalt  }
0x49: {  	_ =	shalt  }
0x4a: {  	_ =	shalt  }
0x4b: {  	_ =	shalt  }
0x4c: {  	_ =	shalt  }
0x4d: {  	_ =	shalt  }
0x4e: {  	_ =	shalt  }
0x4f: {  	_ =	shalt  }
0x50: {  	_ =	shalt  }
0x51: {  	_ =	shalt  }
0x52: {  	_ =	shalt  }
0x53: {  	_ =	shalt  }
0x54: {  	_ =	shalt  }
0x55: {  	_ =	shalt  }
0x56: {  	_ =	shalt  }
0x57: {  	_ =	shalt  }
0x58: {  	_ =	shalt  }
0x59: {  	_ =	shalt  }
0x5a: {  	_ =	shalt  }
0x5b: {  	_ =	shalt  }
0x5c: {  	_ =	shalt  }
0x5d: {  	_ =	shalt  }
0x5e: {  	_ =	shalt  }
0x5f: {  	_ =	shalt  }
0x60: {  	_ =	shalt  }
0x61: {  	_ =	shalt  }
0x62: {  	_ =	shalt  }
0x63: {  	_ =	shalt  }
0x64: {  	_ =	shalt  }
0x65: {  	_ =	shalt  }
0x66: {  	_ =	shalt  }
0x67: {  	_ =	shalt  }
0x68: {  	_ =	shalt  }
0x69: {  	_ =	shalt  }
0x6a: {  	_ =	shalt  }
0x6b: {  	_ =	shalt  }
0x6c: {  	_ =	shalt  }
0x6d: {  	_ =	shalt  }
0x6e: {  	_ =	shalt  }
0x6f: {  	_ =	shalt  }
0x70: {  	_ =	shalt  }
0x71: {  	_ =	shalt  }
0x72: {  	_ =	shalt  }
0x73: {  	_ =	shalt  }
0x74: {  	_ =	shalt  }
0x75: {  	_ =	shalt  }
0x76: {  	_ =	shalt  }
0x77: {  	_ =	shalt  }
0x78: {  	_ =	shalt  }
0x79: {  	_ =	shalt  }
0x7a: {  	_ =	shalt  }
0x7b: {  	_ =	shalt  }
0x7c: {  	_ =	shalt  }
0x7d: {  	_ =	shalt  }
0x7e: {  	_ =	shalt  }
0x7f: {  	_ =	shalt  }
0x80: {  	_ =	shalt  }
0x81: {  	_ =	shalt  }
0x82: {  	_ =	shalt  }
0x83: {  	_ =	shalt  }
0x84: {  	_ =	shalt  }
0x85: {  	_ =	shalt  }
0x86: {  	_ =	shalt  }
0x87: {  	_ =	shalt  }
.Lfunc_end0:
.L_simem_size_0:
called_computation.2_lowered:
.L_overlay_start_0:
0x88: {  	s2 =	sld [smem:$0x3FD9]  }
0x89: {  	s3 =	sld [smem:$0x3FFE];
	_ =	sdelay $0x1  }
0x8a: {  	s1 =	srdreg.scid  }
0x8b: {  	s0 =	sand.u32 $0x1, s1  }
0x8c: {  	s17 =	sshll.u32 s0, $0xA;
	s2 =	sadd.s32 s3, s2  }
0x8d: {  	s2 =	sadd.s32 s2, s17  }
0x8e: {  	[smem:$0x3FC2] =	sst s2  }
0x8f: {  	_ = 	snop  }
0x90: {  	s2 =	sld [smem:$0x3FD0];
	(tm) =	ssettm $0x1  }
0x91: {  	s18 =	sld [smem:$0x3FFB];
	_ =	sdelay $0x3  }
0x92: {  	_ =	strace s18  }
0x93: {  	s3 =	sld [smem:$0x3FFC];
	_ =	sdelay $0x3  }
0x94: {  	_ =	strace s3  }
0x95: {  	s3 =	sld [smem:$0x3FFD];
	_ =	sdelay $0x3  }
0x96: {  	_ =	strace s3  }
0x97: {  	_ =	strace $0x8FFFFFFF  }
0x98: {  	s19 =	sld [smem:$0x3FDB];
	_ =	sdelay $0x1  }
0x99: {  	s4 =	simm.s32 $_scs_section_size  }
0x9a: {  	s5 =	simm.s32 $_size__tile_overlayer_lowered;
	s6 =	simm.s32 $_tile_overlayer_lowered  }
0x9b: {  	s22 =	simm.s32 $0x1BFF;
	s21 =	sshll.u32 s6, $0x1;
	s3 =	sadd.s32 s4, s19  }
0x9c: {  	s7 =	simm.s32 $0x0;
	s20 =	sshll.u32 s5, $0x1;
	s5 =	sadd.s32 s21, s3  }
0x9d: {  	[timem:s7], [sflag:s22] =	dma.local [hbm:s5], s20  }
0x9e: {  	_ =	swait.ge [sflag:s22], s20  }
0x9f: {  	s4 =	ssub.s32 $0x0, s20;
	[sflag:s22] =	ssyncset.done $0x0  }
0xa0: {  	[sflag:s22] =	ssyncadd.s32 s4;
	_ =	sdelay $0x1  }
0xa1: {  	s23 =	simm.s32 $0x1B8B  }
0xa2: {  	_ =	swait.ge [sflag:s23], $0x1  }
0xa3: {  	[sflag:s23] =	ssyncset.done $0x0  }
0xa4: {  	s25 =	simm.s32 $0x1B8E;
	s24 =	sld [smem:$0x3FFE];
	[sflag:s23] =	ssyncadd.s32 $0xFFFFFFFF  }
0xa5: {  	s26 =	simm.s32 $execute0_lowered;
	[smem:$0x3FD2] =	sst s25  }
0xa6: {  	s5 =	sshll.u32 s26, $0x1;
	_ =	strace $0x8000004C;
	[dreg:$0x1] =	wrdreg $0xFFFFFFFF  }
0xa7: {  	s28 =	simm.s32 $_size_execute0_lowered;
	s3 =	sadd.s32 s3, s5;
	[dreg:$0x0] =	wrdreg $0x0  }
0xa8: {  	s5 =	sshll.u32 s28, $0x1;
	[dreg:$0x2] =	wrdreg s3  }
0xa9: {  	[dreg:$0x3] =	wrdreg s5  }
0xaa: {  	[dreg:$0x4] =	wrdreg $0xC0  }
0xab: {  	_ =	task [dreg:s7], $0x5FFFF  }
0xac: {  	[dreg:$0x1] =	wrdreg $0xFFFFFFFF  }
0xad: {  	[dreg:$0x0] =	wrdreg $0x60  }
0xae: {  	[dreg:$0x2] =	wrdreg s24  }
0xaf: {  	[dreg:$0x3] =	wrdreg s2  }
0xb0: {  	[dreg:$0x4] =	wrdreg $0xA8000  }
0xb1: {  	[dreg:$0x5] =	wrdreg $0x9  }
0xb2: {  	_ =	task.clear_ibuf [dreg:s7], $0x6FFFF;
	_ =	strace $0x9000004C  }
0xb3: {  	s29 =	simm.s32 $0x9;
	_ =	strace $0x8000004E  }
0xb4: {  	_ =	swait.ge [sflag:s29], $0x1  }
0xb5: {  	[sflag:s29] =	ssyncadd.s32 $0xFFFFFFFF  }
0xb6: {  	_ =	strace $0x9000004E  }
0xb7: {  	_ =	sfence  }
0xb8: {  	s30 =	sld [smem:$0x0];
	_ =	sdelay $0x2  }
0xb9: {  	s31 =	sshll.u32 s1, $0xD;
	s1 =	sshrl.u32 s1, $0x2  }
0xba: {  	s3 =	sand.u32 $0x4000, s31;
	s1 =	sadd.s32 s1, s30  }
0xbb: {  	s0 =	sor.u32 s3, s0;
	s1 =	sshll.u32 s1, $0x11  }
0xbc: {  	s0 =	sor.u32 s1, s0  }
0xbd: {  	s0 =	sadd.s32 $0x8F2B, s0  }
0xbe: {  	[sflag:s0] =	ssyncadd.remote.s32 $0x1  }
0xbf: {  	_ =	sfence.sel $0xFFFF  }
0xc0: {  	[dreg:$0x0] =	wrdreg $0xFFFFFFFF;
	(pc) =	sbr.abs _section_cstart, $3  }
0xc1: {  	[dreg:$0x1] =	wrdreg $0xFFFFFFFF  }
0xc2: {  	_ =	task.clear_ibuf [dreg:s7], $0x2FFFF;
	_ =	strace $0x9FFFFFFF  }
0xc3: {  	(tm) =	ssettm $0x7FFFFFFF  }
tec
execute0_lowered:
.L_overlay_start_1:
0x0: {  	(tag) =	ssettag $0x1  }
0x1: {  	s6 =	rddreg [dreg:$0x0]  }
0x2: {  	s9 =	rddreg [dreg:$0x1]  }
0x3: {  	s1 =	rddreg [dreg:$0x2]  }
0x4: {  	s0 =	rddreg [dreg:$0x3];
	s2 =	simm.s32 $0x0  }
0x5: {  	s3 =	srdreg.scid;
	s15 =	simm.s32 $0x80;
	s16 =	simm.s32 $0x2800  }
0x6: {  	s17 =	simm.s32 $0x6800;
	s18 =	simm.s32 $0x1;
	s19 =	simm.s32 $0x2  }
0x7: {  	s20 =	simm.s32 $0x2700;
	s21 =	simm.s32 $0x2780;
	[smem:$0x7FF] =	sst s2  }
0x8: {  	s4 =	sadd.s32 $0xEC00, s6;
	s10 =	sadd.s32 $0x2400, s6;
	s5 =	sand.u32 $0x1, s3  }
0x9: {  	s3 =	stileid.u32;
	_ =	strace $0x8000004D;
	s7 =	smul.u32 $0x27800, s5  }
0xa: {  	s8 =	sshll.u32 s5, $0x4;
	s11 =	ssub.s32 $0x2, s5;
	s12 =	smul.u32 $0x4F000, s3  }
0xb: {  	s5 =	sadd.s32 $0xC400, s6;
	s23 =	smul.u32 $0x2780, s3;
	s8 =	sor.u32 s3, s8  }
0xc: {  	s30 =	sshll.u32 s3, $0x6;
	s13 =	sshrl.u32 s11, $0x1;
	s8 =	smul.u32 $0x2800, s8  }
0xd: {  	s14 =	sadd.s32 s7, s6;
	s11 =	ssub.s32 s11, s13;
	s29 =	sshrl.u32 s12, $0x2  }
0xe: {  	s6 =	sor.u32 $0x1C03, s30;
	s13 =	simm.s32 $0x3;
	s12 =	sadd.s32 s29, s1  }
0xf: {  	s22 =	sadd.s32 $0x36400, s14;
	s11 =	smax.u32 s11, $0x1;
	s14 =	simm.s32 $0x1400  }
0x10: {  	s8 =	sshrl.u32 s8, $0x3;
	s12 =	sshrl.u32 s12, $0x3;
	s22 =	sadd.s32 s23, s22  }
0x11: {  	s23 =	simm.s32 $0x0;
	s7 =	sadd.s32 s9, s8;
	s31 =	sadd.s32 $0x280, s8  }
0x12: {  	s8 =	sadd.s32 s10, s8;
	s9 =	sadd.s32 s9, s31;
	s10 =	sadd.s32 s10, s31  }
.LBB2_1:
0x13: {  	[spmem:s12], [sflag:s6] =	dma.local [hbm:s5], $0x2780  }
0x14: {  	_ =	swait.ge [sflag:s13], $0x2780  }
0x15: {  	[sflag:s13] =	ssyncset.done $0x0  }
0x16: {  	[sflag:s13] =	ssyncadd.s32 $0xFFFFD880  }
0x17: {  	[bflag:$0x0] =	sbarrier.arrive $0xFFFF  }
0x18: {  	[tilespmem:s2], [sflag:$0x3] =	stream.linear.gather [hbm4b:s7+s2], $0x1400, $0x38;
	[tilespmem:$0x1E400] =	vst v63  }
0x19: {  	_ =	swait.ge [sflag:s13], $0x1400  }
0x1a: {  	[sflag:s13] =	ssyncset.done $0x0  }
0x1b: {  	[sflag:s13] =	ssyncadd.s32 $0xFFFFEC00  }
0x1c: {  	[tilespmem:s14], [sflag:$0x3] =	stream.linear.gather [hbm4b:s8+s2], $0x1400, $0x38;
	[tilespmem:$0x1E400] =	vst v63  }
0x1d: {  	_ =	swait.ge [sflag:s13], $0x1400  }
0x1e: {  	[sflag:s13] =	ssyncset.done $0x0  }
0x1f: {  	[sflag:s13] =	ssyncadd.s32 $0xFFFFEC00  }
0x20: {  	[tilespmem:s16], [sflag:$0x1] =	stream.indirect.gather [hbm4b:s4+s15], $0x80, s2, s15, $0xb8;
	[tilespmem:$0x1E400] =	vst v63  }
0x21: {  	_ = 	snop  }
0x22: {  	[tilespmem:s17], [sflag:$0x2] =	stream.indirect.gather [hbm4b:s4+s15], $0x80, s15, s15, $0xb8;
	[tilespmem:$0x1E400] =	vst v63  }
0x23: {  	_ =	swait.ge [sflag:s18], $0x4000  }
0x24: {  	[sflag:s18] =	ssyncset.done $0x0  }
0x25: {  	s24 =	simm.s32 $0x1400;
	[sflag:s18] =	ssyncadd.s32 $0xFFFFC000  }
0x26: {  	[spmem:s1] =	stream.indirect.scatter.add.f32 [tilespmem:s16], [sflag:$0x3], $0x80, s24, s15, $0xb8;
	[tilespmem:$0x1E400] =	vst v63  }
0x27: {  	_ =	swait.ge [sflag:s13], $0x4000  }
0x28: {  	[sflag:s13] =	ssyncset.done $0x0  }
0x29: {  	s30 =	simm.s32 $0x100;
	[sflag:s13] =	ssyncadd.s32 $0xFFFFC000  }
0x2a: {  	[tilespmem:s16], [sflag:$0x1] =	stream.indirect.gather [hbm4b:s4+s15], $0x80, s30, s15, $0xb8;
	[tilespmem:$0x1E400] =	vst v63  }
0x2b: {  	_ =	swait.ge [sflag:s19], $0x4000  }
0x2c: {  	[sflag:s19] =	ssyncset.done $0x0  }
0x2d: {  	s31 =	simm.s32 $0x1480;
	[sflag:s19] =	ssyncadd.s32 $0xFFFFC000  }
0x2e: {  	[spmem:s1] =	stream.indirect.scatter.add.f32 [tilespmem:s17], [sflag:$0x3], $0x80, s31, s15, $0xb8;
	[tilespmem:$0x1E400] =	vst v63  }
0x2f: {  	_ =	swait.ge [sflag:s13], $0x4000  }
0x30: {  	[sflag:s13] =	ssyncset.done $0x0  }
0x31: {  	s25 =	simm.s32 $0x180;
	s24 =	simm.s32 $0x400;
	[sflag:s13] =	ssyncadd.s32 $0xFFFFC000  }
.LBB2_2:
0x32: {  	[tilespmem:s17], [sflag:$0x2] =	stream.indirect.gather [hbm4b:s4+s15], $0x80, s25, s15, $0xb8;
	[tilespmem:$0x1E400] =	vst v63  }
0x33: {  	s25 =	smov.u32 s24  }
0x34: {  	p0 =	sne.s32 s24, $0x4800;
	s24 =	sadd.s32 $0x400, s24;
	_ =	swait.ge [sflag:s18], $0x4000  }
0x35: {  	s25 =	sshra.s32 s25, $0x2;
	[sflag:s18] =	ssyncset.done $0x0  }
0x36: {  	s26 =	sadd.s32 $0x1400, s25;
	[sflag:s18] =	ssyncadd.s32 $0xFFFFC000  }
0x37: {  	[spmem:s1] =	stream.indirect.scatter.add.f32 [tilespmem:s16], [sflag:$0x3], $0x80, s26, s15, $0xb8;
	[tilespmem:$0x1E400] =	vst v63  }
0x38: {  	_ =	swait.ge [sflag:s13], $0x4000  }
0x39: {  	[sflag:s13] =	ssyncset.done $0x0  }
0x3a: {  	s26 =	sadd.s32 $0x100, s25;
	[sflag:s13] =	ssyncadd.s32 $0xFFFFC000  }
0x3b: {  	[tilespmem:s16], [sflag:$0x1] =	stream.indirect.gather [hbm4b:s4+s15], $0x80, s26, s15, $0xb8;
	[tilespmem:$0x1E400] =	vst v63  }
0x3c: {  	_ =	swait.ge [sflag:s19], $0x4000  }
0x3d: {  	[sflag:s19] =	ssyncset.done $0x0  }
.Ltmp0:
0x3e: {  	s26 =	sadd.s32 $0x1480, s25;
	[sflag:s19] =	ssyncadd.s32 $0xFFFFC000;
	(pc) =	sbr.rel @p0 .LBB2_2-.Ltmp0, $4  }
0x3f: {  	[spmem:s1] =	stream.indirect.scatter.add.f32 [tilespmem:s17], [sflag:$0x3], $0x80, s26, s15, $0xb8;
	[tilespmem:$0x1E400] =	vst v63  }
0x40: {  	_ =	swait.ge [sflag:s13], $0x4000  }
0x41: {  	[sflag:s13] =	ssyncset.done $0x0  }
0x42: {  	s25 =	sadd.s32 $0x180, s25;
	[sflag:s13] =	ssyncadd.s32 $0xFFFFC000  }
0x43: {  	[tilespmem:s17], [sflag:$0x2] =	stream.indirect.gather [hbm4b:s4+s15], $0x80, s25, s15, $0xb8;
	[tilespmem:$0x1E400] =	vst v63  }
0x44: {  	_ =	swait.ge [sflag:s18], $0x4000  }
0x45: {  	[sflag:s18] =	ssyncset.done $0x0  }
0x46: {  	[sflag:s18] =	ssyncadd.s32 $0xFFFFC000  }
0x47: {  	[spmem:s1] =	stream.indirect.scatter.add.f32 [tilespmem:s16], [sflag:$0x3], $0x80, s20, s15, $0xb8;
	[tilespmem:$0x1E400] =	vst v63  }
0x48: {  	_ =	swait.ge [sflag:s13], $0x4000  }
0x49: {  	[sflag:s13] =	ssyncset.done $0x0  }
0x4a: {  	[sflag:s13] =	ssyncadd.s32 $0xFFFFC000  }
0x4b: {  	_ =	swait.ge [sflag:s19], $0x4000  }
0x4c: {  	[sflag:s19] =	ssyncset.done $0x0  }
0x4d: {  	[sflag:s19] =	ssyncadd.s32 $0xFFFFC000  }
0x4e: {  	[spmem:s1] =	stream.indirect.scatter.add.f32 [tilespmem:s17], [sflag:$0x3], $0x80, s21, s15, $0xb8;
	[tilespmem:$0x1E400] =	vst v63  }
0x4f: {  	_ =	swait.ge [sflag:s13], $0x4000  }
0x50: {  	[sflag:s13] =	ssyncset.done $0x0  }
0x51: {  	s24 =	simm.s32 $0x0;
	[sflag:s13] =	ssyncadd.s32 $0xFFFFC000  }
0x52: {  	[tilespmem:s24], [sflag:$0x3] =	stream.linear.gather [hbm4b:s9+s24], $0x1400, $0x38;
	[tilespmem:$0x1E400] =	vst v63  }
0x53: {  	_ =	swait.ge [sflag:s13], $0x1400  }
0x54: {  	[sflag:s13] =	ssyncset.done $0x0  }
0x55: {  	[sflag:s13] =	ssyncadd.s32 $0xFFFFEC00  }
0x56: {  	[tilespmem:s14], [sflag:$0x3] =	stream.linear.gather [hbm4b:s10+s24], $0x1400, $0x38;
	[tilespmem:$0x1E400] =	vst v63  }
0x57: {  	_ =	swait.ge [sflag:s13], $0x1400  }
0x58: {  	[sflag:s13] =	ssyncset.done $0x0  }
0x59: {  	[sflag:s13] =	ssyncadd.s32 $0xFFFFEC00  }
0x5a: {  	[tilespmem:s16], [sflag:$0x1] =	stream.indirect.gather [hbm4b:s4+s15], $0x80, s24, s15, $0xb8;
	[tilespmem:$0x1E400] =	vst v63  }
0x5b: {  	_ = 	snop  }
0x5c: {  	[tilespmem:s17], [sflag:$0x2] =	stream.indirect.gather [hbm4b:s4+s15], $0x80, s15, s15, $0xb8;
	[tilespmem:$0x1E400] =	vst v63  }
0x5d: {  	_ =	swait.ge [sflag:s18], $0x4000  }
0x5e: {  	[sflag:s18] =	ssyncset.done $0x0  }
0x5f: {  	s29 =	simm.s32 $0x1400;
	[sflag:s18] =	ssyncadd.s32 $0xFFFFC000  }
0x60: {  	[spmem:s1] =	stream.indirect.scatter.add.f32 [tilespmem:s16], [sflag:$0x3], $0x80, s29, s15, $0xb8;
	[tilespmem:$0x1E400] =	vst v63  }
0x61: {  	_ =	swait.ge [sflag:s13], $0x4000  }
0x62: {  	[sflag:s13] =	ssyncset.done $0x0  }
0x63: {  	s30 =	simm.s32 $0x100;
	[sflag:s13] =	ssyncadd.s32 $0xFFFFC000  }
0x64: {  	[tilespmem:s16], [sflag:$0x1] =	stream.indirect.gather [hbm4b:s4+s15], $0x80, s30, s15, $0xb8;
	[tilespmem:$0x1E400] =	vst v63  }
0x65: {  	_ =	swait.ge [sflag:s19], $0x4000  }
0x66: {  	[sflag:s19] =	ssyncset.done $0x0  }
0x67: {  	s31 =	simm.s32 $0x1480;
	[sflag:s19] =	ssyncadd.s32 $0xFFFFC000  }
0x68: {  	[spmem:s1] =	stream.indirect.scatter.add.f32 [tilespmem:s17], [sflag:$0x3], $0x80, s31, s15, $0xb8;
	[tilespmem:$0x1E400] =	vst v63  }
0x69: {  	_ =	swait.ge [sflag:s13], $0x4000  }
0x6a: {  	[sflag:s13] =	ssyncset.done $0x0  }
0x6b: {  	s25 =	simm.s32 $0x180;
	s24 =	simm.s32 $0x400;
	[sflag:s13] =	ssyncadd.s32 $0xFFFFC000  }
.LBB2_4:
0x6c: {  	[tilespmem:s17], [sflag:$0x2] =	stream.indirect.gather [hbm4b:s4+s15], $0x80, s25, s15, $0xb8;
	[tilespmem:$0x1E400] =	vst v63  }
0x6d: {  	s25 =	smov.u32 s24  }
0x6e: {  	p0 =	sne.s32 s24, $0x4800;
	s24 =	sadd.s32 $0x400, s24;
	_ =	swait.ge [sflag:s18], $0x4000  }
0x6f: {  	s25 =	sshra.s32 s25, $0x2;
	[sflag:s18] =	ssyncset.done $0x0  }
0x70: {  	s26 =	sadd.s32 $0x1400, s25;
	[sflag:s18] =	ssyncadd.s32 $0xFFFFC000  }
0x71: {  	[spmem:s1] =	stream.indirect.scatter.add.f32 [tilespmem:s16], [sflag:$0x3], $0x80, s26, s15, $0xb8;
	[tilespmem:$0x1E400] =	vst v63  }
0x72: {  	_ =	swait.ge [sflag:s13], $0x4000  }
0x73: {  	[sflag:s13] =	ssyncset.done $0x0  }
0x74: {  	s26 =	sadd.s32 $0x100, s25;
	[sflag:s13] =	ssyncadd.s32 $0xFFFFC000  }
0x75: {  	[tilespmem:s16], [sflag:$0x1] =	stream.indirect.gather [hbm4b:s4+s15], $0x80, s26, s15, $0xb8;
	[tilespmem:$0x1E400] =	vst v63  }
0x76: {  	_ =	swait.ge [sflag:s19], $0x4000  }
0x77: {  	[sflag:s19] =	ssyncset.done $0x0  }
.Ltmp1:
0x78: {  	s26 =	sadd.s32 $0x1480, s25;
	[sflag:s19] =	ssyncadd.s32 $0xFFFFC000;
	(pc) =	sbr.rel @p0 .LBB2_4-.Ltmp1, $4  }
0x79: {  	[spmem:s1] =	stream.indirect.scatter.add.f32 [tilespmem:s17], [sflag:$0x3], $0x80, s26, s15, $0xb8;
	[tilespmem:$0x1E400] =	vst v63  }
0x7a: {  	_ =	swait.ge [sflag:s13], $0x4000  }
0x7b: {  	[sflag:s13] =	ssyncset.done $0x0  }
0x7c: {  	s25 =	sadd.s32 $0x180, s25;
	[sflag:s13] =	ssyncadd.s32 $0xFFFFC000  }
0x7d: {  	[tilespmem:s17], [sflag:$0x2] =	stream.indirect.gather [hbm4b:s4+s15], $0x80, s25, s15, $0xb8;
	[tilespmem:$0x1E400] =	vst v63  }
0x7e: {  	_ =	swait.ge [sflag:s18], $0x4000  }
0x7f: {  	[sflag:s18] =	ssyncset.done $0x0  }
0x80: {  	[sflag:s18] =	ssyncadd.s32 $0xFFFFC000  }
0x81: {  	[spmem:s1] =	stream.indirect.scatter.add.f32 [tilespmem:s16], [sflag:$0x3], $0x80, s20, s15, $0xb8;
	[tilespmem:$0x1E400] =	vst v63  }
0x82: {  	_ =	swait.ge [sflag:s13], $0x4000  }
0x83: {  	[sflag:s13] =	ssyncset.done $0x0  }
0x84: {  	[sflag:s13] =	ssyncadd.s32 $0xFFFFC000  }
0x85: {  	_ =	swait.ge [sflag:s19], $0x4000  }
0x86: {  	[sflag:s19] =	ssyncset.done $0x0  }
0x87: {  	[sflag:s19] =	ssyncadd.s32 $0xFFFFC000  }
0x88: {  	[spmem:s1] =	stream.indirect.scatter.add.f32 [tilespmem:s17], [sflag:$0x3], $0x80, s21, s15, $0xb8;
	[tilespmem:$0x1E400] =	vst v63  }
0x89: {  	_ =	swait.ge [sflag:s13], $0x4000  }
0x8a: {  	s23 =	sadd.s32 $0x1, s23;
	[sflag:s13] =	ssyncset.done $0x0  }
0x8b: {  	p0 =	sne.s32 s23, s11;
	[sflag:s13] =	ssyncadd.s32 $0xFFFFC000  }
.Ltmp2:
0x8c: {  	[bflag:$0x0] =	sbarrier.arrive $0xFFFF;
	(pc) =	sbr.rel @p0 .LBB2_1-.Ltmp2, $4  }
0x8d: {  	[hbm:s22], [sflag:s6] =	dma.local [spmem:s12], $0x2780  }
0x8e: {  	_ =	swait.ge [sflag:s13], $0x2780  }
0x8f: {  	[sflag:s13] =	ssyncset.done $0x0  }
0x90: {  	[sflag:s13] =	ssyncadd.s32 $0xFFFFD880  }
0x91: {  	_ =	sfence.sel $0x180000  }
0x92: {  	[bflag:$0x0] =	sbarrier.arrive $0xFFFF  }
0x93: {  	p0 =	sne.s32 s3, $0x0;
	_ =	strace $0x9000004D  }
0x94: {  	s0 =	sadd.s32 @!p0 $0x100000, s0;
	[bflag:$0x2] =	sbarrier.arrive $0xFFFF  }
0x95: {  	[sflag:s0] =	ssyncadd.tile.s32 @!p0 $0x1;
	_ =	shalt  }
.Lfunc_end2:
_tile_overlayer_lowered:
.L_overlay_start_2:
0x96: {  	(tag) =	ssettag $0x2  }
0x97: {  	s0 =	rddreg [dreg:$0x0];
	s2 =	stileid.u32  }
0x98: {  	s1 =	rddreg [dreg:$0x1];
	p0 =	sne.s32 s2, $0x0  }
0x99: {  	s3 =	rddreg [dreg:$0x2];
	[bflag:$0x3] =	sbarrier.arrive $0xFFFF;
	s2 =	simm.s32 @!p0 $0x1C03  }
0x9a: {  	[timem:s3], [sflag:s2] =	dma.local @!p0 [hbm:s0], s1  }
0x9b: {  	s0 =	simm.s32 @!p0 $0x3  }
0x9c: {  	_ =	swait.ge @!p0 [sflag:s0], s1  }
0x9d: {  	s1 =	ssub.s32 @!p0 $0x0, s1;
	[sflag:s0] =	ssyncset.done @!p0 $0x0  }
0x9e: {  	[sflag:s0] =	ssyncadd.s32 @!p0 s1  }
0x9f: {  	[bflag:$0x3] =	sbarrier.arrive $0xFFFF  }
0xa0: {  	_ =	shalt  }

// kernel: kernel.8.cloned.1.call-start
scs
__scs_entry_jumppad:
0x0: {  	(pc) =	sbr.rel $0x88, $3  }
0x1: {  	(tag) =	ssettag $0x0;
	lr =	simm.s32 $0x1  }
0x2: {  	[smem:$0x3F9B] =	sst lr;
	_ =	strace $0xD0000000  }
0x3: {  	_ = 	snop  }
0x4: {  	_ = 	snop  }
0x5: {  	_ = 	snop  }
0x6: {  	_ = 	snop  }
0x7: {  	_ = 	snop  }
__scs_overlays_trampoline_lowered:
0x8: {  	[smem:$0x3FAA] =	sst s0  }
0x9: {  	[smem:$0x3FAB] =	sst s1  }
0xa: {  	[smem:$0x3FAC] =	sst s2  }
0xb: {  	[smem:$0x3FAD] =	sst s3  }
0xc: {  	[smem:$0x3FAE] =	sst s4  }
0xd: {  	[smem:$0x3FAF] =	sst s5  }
0xe: {  	[smem:$0x3FB0] =	sst s6  }
0xf: {  	[smem:$0x3FB1] =	sst s7  }
0x10: {  	[smem:$0x3FB2] =	sst s8  }
0x11: {  	[smem:$0x3FB3] =	sst s9;
	s0 =	simm.s32 @!p0 $0x0  }
0x12: {  	s1 =	sld [smem:$0x3F99];
	s0 =	simm.s32 @p0 $0x1  }
0x13: {  	[smem:$0x3FB4] =	sst s0;
	s0 =	simm.s32 @!p1 $0x0  }
0x14: {  	s2 =	sld [smem:$0x3F98];
	s0 =	simm.s32 @p1 $0x1  }
0x15: {  	[smem:$0x3FB5] =	sst s0;
	s0 =	simm.s32 @!p2 $0x0  }
0x16: {  	s3 =	sld [smem:$0x3FDB];
	s0 =	simm.s32 @p2 $0x1  }
0x17: {  	s4 =	simm.s32 $0x1BF5;
	[smem:$0x3FB7] =	sst s0  }
0x18: {  	s0 =	sld [smem:$0x3F9A];
	_ =	swait.ge [sflag:s4], $0x0  }
0x19: {  	s7 =	sld [smem:$0x3F9B]  }
0x1a: {  	s8 =	sadd.s32 $0xFFFFE003, lr  }
0x1b: {  	s9 =	sadd.s32 $0xFFFFFEF7, lr;
	s5 =	simm.s32 $0xFFFFFFFF;
	p2 =	slt.u32 s8, $0xFFFFF086  }
0x1c: {  	p1 =	slt.u32 s9, $0xF7A;
	s5 =	simm.s32 @!p2 $0x0  }
0x1d: {  	s5 =	simm.s32 @p1 $0x1;
	p0 =	seq.s32 s7, s2  }
0x1e: {  	s7 =	smul.u32 @!p0 $0xF7A, s2;
	p2 =	seq.s32 @!p0 s5, $0x0  }
0x1f: {  	s9 =	smul.u32 $0xF7A, s1;
	s8 =	simm.s32 @!p0 $0x1BF5;
	p2 =	por !p2, p0  }
0x20: {  	[sflag:s8] =	ssyncset.s32 @!p0 $0xFFFFF086;
	s6 =	sadd.s32 @!p0 s3, s7;
	s7 =	simm.s32 @!p0 $0x108  }
0x21: {  	s3 =	sadd.s32 s3, s9;
	s6 =	sadd.s32 @!p0 $0x88, s6;
	s7 =	simm.s32 @p2 $0x1082  }
0x22: {  	[simem:s7], [sflag:s8] =	dma.local @!p0 [hbm:s6], $0xF7A  }
0x23: {  	s9 =	sor.u32 $0xD0000000, s2;
	s6 =	simm.s32 $0x108;
	_ =	swait.ge @!p0 [sflag:s8], $0x0  }
0x24: {  	s3 =	sadd.s32 $0x88, s3;
	s6 =	simm.s32 @!p1 $0x1082;
	[sflag:s4] =	ssyncset.s32 $0xFFFFF086  }
0x25: {  	[simem:s6], [sflag:s4] =	dma.local [hbm:s3], $0xF7A  }
0x26: {  	[smem:$0x3F9B] =	sst s1;
	(tag) =	ssettag s2;
	_ =	strace s9  }
0x27: {  	s1 =	sld [smem:$0x3FAB]  }
0x28: {  	s2 =	sld [smem:$0x3FAC]  }
0x29: {  	s4 =	sld [smem:$0x3FAE]  }
0x2a: {  	p0 =	seq.s32 s5, $0x0;
	s5 =	sld [smem:$0x3FAF]  }
0x2b: {  	s6 =	sld [smem:$0x3FB0]  }
0x2c: {  	s7 =	sld [smem:$0x3FB1]  }
0x2d: {  	s3 =	simm.s32 $0x108;
	s8 =	sld [smem:$0x3FB2]  }
0x2e: {  	s3 =	simm.s32 @!p0 $0x1082;
	s9 =	sld [smem:$0x3FB3]  }
0x2f: {  	lr =	sadd.s32 s0, s3;
	s0 =	sld [smem:$0x3FAA]  }
0x30: {  	s3 =	sld [smem:$0x3FAD]  }
0x31: {  	[smem:$0x3FB6] =	sst s10  }
0x32: {  	s10 =	sld [smem:$0x3FB4];
	_ =	sdelay $0x3  }
0x33: {  	p0 =	seq.s32 s10, $0x1;
	s10 =	sld [smem:$0x3FB6];
	_ =	sdelay $0x3  }
0x34: {  	[smem:$0x3FB6] =	sst s10  }
0x35: {  	s10 =	sld [smem:$0x3FB5];
	_ =	sdelay $0x3  }
0x36: {  	p1 =	seq.s32 s10, $0x1;
	s10 =	sld [smem:$0x3FB6];
	_ =	sdelay $0x3  }
0x37: {  	[smem:$0x3FB6] =	sst s10  }
0x38: {  	s10 =	sld [smem:$0x3FB7]  }
0x39: {  	_ = 	snop;
	(pc) =	sbr.ind lr, $3  }
0x3a: {  	_ = 	snop  }
0x3b: {  	_ = 	snop  }
0x3c: {  	p2 =	seq.s32 s10, $0x1;
	s10 =	sld [smem:$0x3FB6]  }
0x3d: {  	_ =	shalt  }
0x3e: {  	_ =	shalt  }
0x3f: {  	_ =	shalt  }
0x40: {  	_ =	shalt  }
0x41: {  	_ =	shalt  }
0x42: {  	_ =	shalt  }
0x43: {  	_ =	shalt  }
0x44: {  	_ =	shalt  }
0x45: {  	_ =	shalt  }
0x46: {  	_ =	shalt  }
0x47: {  	_ =	shalt  }
0x48: {  	_ =	shalt  }
0x49: {  	_ =	shalt  }
0x4a: {  	_ =	shalt  }
0x4b: {  	_ =	shalt  }
0x4c: {  	_ =	shalt  }
0x4d: {  	_ =	shalt  }
0x4e: {  	_ =	shalt  }
0x4f: {  	_ =	shalt  }
0x50: {  	_ =	shalt  }
0x51: {  	_ =	shalt  }
0x52: {  	_ =	shalt  }
0x53: {  	_ =	shalt  }
0x54: {  	_ =	shalt  }
0x55: {  	_ =	shalt  }
0x56: {  	_ =	shalt  }
0x57: {  	_ =	shalt  }
0x58: {  	_ =	shalt  }
0x59: {  	_ =	shalt  }
0x5a: {  	_ =	shalt  }
0x5b: {  	_ =	shalt  }
0x5c: {  	_ =	shalt  }
0x5d: {  	_ =	shalt  }
0x5e: {  	_ =	shalt  }
0x5f: {  	_ =	shalt  }
0x60: {  	_ =	shalt  }
0x61: {  	_ =	shalt  }
0x62: {  	_ =	shalt  }
0x63: {  	_ =	shalt  }
0x64: {  	_ =	shalt  }
0x65: {  	_ =	shalt  }
0x66: {  	_ =	shalt  }
0x67: {  	_ =	shalt  }
0x68: {  	_ =	shalt  }
0x69: {  	_ =	shalt  }
0x6a: {  	_ =	shalt  }
0x6b: {  	_ =	shalt  }
0x6c: {  	_ =	shalt  }
0x6d: {  	_ =	shalt  }
0x6e: {  	_ =	shalt  }
0x6f: {  	_ =	shalt  }
0x70: {  	_ =	shalt  }
0x71: {  	_ =	shalt  }
0x72: {  	_ =	shalt  }
0x73: {  	_ =	shalt  }
0x74: {  	_ =	shalt  }
0x75: {  	_ =	shalt  }
0x76: {  	_ =	shalt  }
0x77: {  	_ =	shalt  }
0x78: {  	_ =	shalt  }
0x79: {  	_ =	shalt  }
0x7a: {  	_ =	shalt  }
0x7b: {  	_ =	shalt  }
0x7c: {  	_ =	shalt  }
0x7d: {  	_ =	shalt  }
0x7e: {  	_ =	shalt  }
0x7f: {  	_ =	shalt  }
0x80: {  	_ =	shalt  }
0x81: {  	_ =	shalt  }
0x82: {  	_ =	shalt  }
0x83: {  	_ =	shalt  }
0x84: {  	_ =	shalt  }
0x85: {  	_ =	shalt  }
0x86: {  	_ =	shalt  }
0x87: {  	_ =	shalt  }
.Lfunc_end0:
.L_simem_size_0:
called_computation_lowered:
.L_overlay_start_0:
0x88: {  	s2 =	sld [smem:$0x3FD9]  }
0x89: {  	s3 =	sld [smem:$0x3FFE];
	_ =	sdelay $0x1  }
0x8a: {  	s1 =	srdreg.scid  }
0x8b: {  	s0 =	sand.u32 $0x1, s1  }
0x8c: {  	s17 =	sshll.u32 s0, $0xA;
	s2 =	sadd.s32 s3, s2  }
0x8d: {  	s2 =	sadd.s32 s2, s17  }
0x8e: {  	[smem:$0x3FC2] =	sst s2  }
0x8f: {  	_ = 	snop  }
0x90: {  	s2 =	sld [smem:$0x3FD0];
	(tm) =	ssettm $0x1  }
0x91: {  	s18 =	sld [smem:$0x3FFB];
	_ =	sdelay $0x3  }
0x92: {  	_ =	strace s18  }
0x93: {  	s3 =	sld [smem:$0x3FFC];
	_ =	sdelay $0x3  }
0x94: {  	_ =	strace s3  }
0x95: {  	s3 =	sld [smem:$0x3FFD];
	_ =	sdelay $0x3  }
0x96: {  	_ =	strace s3  }
0x97: {  	_ =	strace $0x8FFFFFFF  }
0x98: {  	s19 =	sld [smem:$0x3FDB];
	_ =	sdelay $0x1  }
0x99: {  	s4 =	simm.s32 $_scs_section_size  }
0x9a: {  	s5 =	simm.s32 $_size__tile_overlayer_lowered;
	s6 =	simm.s32 $_tile_overlayer_lowered  }
0x9b: {  	s22 =	simm.s32 $0x1BFF;
	s21 =	sshll.u32 s6, $0x1;
	s3 =	sadd.s32 s4, s19  }
0x9c: {  	s7 =	simm.s32 $0x0;
	s20 =	sshll.u32 s5, $0x1;
	s5 =	sadd.s32 s21, s3  }
0x9d: {  	[timem:s7], [sflag:s22] =	dma.local [hbm:s5], s20  }
0x9e: {  	_ =	swait.ge [sflag:s22], s20  }
0x9f: {  	s4 =	ssub.s32 $0x0, s20;
	[sflag:s22] =	ssyncset.done $0x0  }
0xa0: {  	[sflag:s22] =	ssyncadd.s32 s4;
	_ =	sdelay $0x1  }
0xa1: {  	s23 =	simm.s32 $0x1B8B  }
0xa2: {  	_ =	swait.ge [sflag:s23], $0x1  }
0xa3: {  	[sflag:s23] =	ssyncset.done $0x0  }
0xa4: {  	s25 =	simm.s32 $0x1B8E;
	s24 =	sld [smem:$0x3FFE];
	[sflag:s23] =	ssyncadd.s32 $0xFFFFFFFF  }
0xa5: {  	s26 =	simm.s32 $execute0_lowered;
	[smem:$0x3FD2] =	sst s25  }
0xa6: {  	s5 =	sshll.u32 s26, $0x1;
	_ =	strace $0x80000046;
	[dreg:$0x1] =	wrdreg $0xFFFFFFFF  }
0xa7: {  	s28 =	simm.s32 $_size_execute0_lowered;
	s3 =	sadd.s32 s3, s5;
	[dreg:$0x0] =	wrdreg $0x0  }
0xa8: {  	s5 =	sshll.u32 s28, $0x1;
	[dreg:$0x2] =	wrdreg s3  }
0xa9: {  	[dreg:$0x3] =	wrdreg s5  }
0xaa: {  	[dreg:$0x4] =	wrdreg $0xC0  }
0xab: {  	_ =	task [dreg:s7], $0x5FFFF  }
0xac: {  	[dreg:$0x1] =	wrdreg $0xFFFFFFFF  }
0xad: {  	[dreg:$0x0] =	wrdreg $0x60  }
0xae: {  	[dreg:$0x2] =	wrdreg s2  }
0xaf: {  	[dreg:$0x3] =	wrdreg s24  }
0xb0: {  	[dreg:$0x4] =	wrdreg $0x9  }
0xb1: {  	_ =	task.clear_ibuf [dreg:s7], $0x5FFFF;
	_ =	strace $0x90000046  }
0xb2: {  	s29 =	simm.s32 $0x9;
	_ =	strace $0x80000048  }
0xb3: {  	_ =	swait.ge [sflag:s29], $0x1  }
0xb4: {  	[sflag:s29] =	ssyncadd.s32 $0xFFFFFFFF  }
0xb5: {  	_ =	strace $0x90000048  }
0xb6: {  	_ =	sfence  }
0xb7: {  	s30 =	sld [smem:$0x0];
	_ =	sdelay $0x2  }
0xb8: {  	s31 =	sshll.u32 s1, $0xD;
	s1 =	sshrl.u32 s1, $0x2  }
0xb9: {  	s3 =	sand.u32 $0x4000, s31;
	s1 =	sadd.s32 s1, s30  }
0xba: {  	s0 =	sor.u32 s3, s0;
	s1 =	sshll.u32 s1, $0x11  }
0xbb: {  	s0 =	sor.u32 s1, s0  }
0xbc: {  	s0 =	sadd.s32 $0x8F2B, s0  }
0xbd: {  	[sflag:s0] =	ssyncadd.remote.s32 $0x1  }
0xbe: {  	_ =	sfence.sel $0xFFFF  }
0xbf: {  	[dreg:$0x0] =	wrdreg $0xFFFFFFFF;
	(pc) =	sbr.abs _section_cstart, $3  }
0xc0: {  	[dreg:$0x1] =	wrdreg $0xFFFFFFFF  }
0xc1: {  	_ =	task.clear_ibuf [dreg:s7], $0x2FFFF;
	_ =	strace $0x9FFFFFFF  }
0xc2: {  	(tm) =	ssettm $0x7FFFFFFF  }
0xc3: {  	_ =	shalt  }
tec
execute0_lowered:
.L_overlay_start_1:
0x0: {  	(tag) =	ssettag $0x1  }
0x1: {  	s4 =	rddreg [dreg:$0x0]  }
0x2: {  	s0 =	srdreg.scid;
	s5 =	rddreg [dreg:$0x1]  }
0x3: {  	s2 =	simm.s32 $0x0;
	s11 =	simm.s32 $0x7780;
	s12 =	simm.s32 $0x2800  }
0x4: {  	s13 =	simm.s32 $0x80;
	s14 =	simm.s32 $0x400;
	s3 =	sand.u32 $0x1, s0  }
0x5: {  	s15 =	simm.s32 $0x0;
	s0 =	stileid.u32;
	s1 =	sshll.u32 s3, $0x4  }
0x6: {  	[smem:$0x7FF] =	sst s2;
	s8 =	sshll.u32 s0, $0x7;
	s6 =	sor.u32 s0, s1  }
0x7: {  	s31 =	ssub.s32 $0x2, s3;
	s7 =	sshrl.u32 s6, $0x3;
	s6 =	smul.u32 $0x500, s6  }
0x8: {  	s3 =	sadd.s32 $0xC400, s5;
	s1 =	rddreg [dreg:$0x2];
	s7 =	smul.u32 $0x13C00, s7  }
0x9: {  	s8 =	sand.u32 $0x380, s8;
	_ =	strace $0x80000047;
	s10 =	sshrl.u32 s31, $0x1  }
0xa: {  	s9 =	sadd.s32 s6, s5;
	s4 =	sadd.s32 s4, s6;
	s7 =	sor.u32 s8, s7  }
0xb: {  	s8 =	ssub.s32 s31, s10;
	s10 =	simm.s32 $0x1;
	s7 =	sshrl.u32 s7, $0x3  }
0xc: {  	s8 =	smax.u32 s8, $0x1;
	s7 =	sadd.s32 s7, s5;
	s5 =	sadd.s32 $0x2400, s9  }
0xd: {  	v0 =	vimm.f32 $1.000000000e+00;
	s9 =	simm.s32 $0x5000;
	s6 =	sadd.s32 $0xCA00, s7;
	s7 =	sadd.s32 $0x16800, s7  }
.LBB2_1:
0xe: {  	[tilespmem:s9], [sflag:$0x1] =	stream.linear.gather [hbm4b:s3+s2], $0x2780, $0x38;
	[tilespmem:$0x9F00] =	vst v63  }
0xf: {  	_ =	swait.ge [sflag:s10], $0x2780  }
0x10: {  	[sflag:s10] =	ssyncset.done $0x0  }
0x11: {  	[sflag:s10] =	ssyncadd.s32 $0xFFFFD880  }
0x12: {  	[tilespmem:s11], [sflag:$0x1] =	stream.linear.gather [hbm4b:s3+s2], $0x2780, $0x38;
	[tilespmem:$0x9F00] =	vst v63  }
0x13: {  	_ =	swait.ge [sflag:s10], $0x2780  }
0x14: {  	[sflag:s10] =	ssyncset.done $0x0  }
0x15: {  	[sflag:s10] =	ssyncadd.s32 $0xFFFFD880  }
0x16: {  	[tilespmem:s2], [sflag:$0x1] =	stream.linear.gather [hbm4b:s4+s2], $0x2800, $0x38;
	[tilespmem:$0x9F00] =	vst v63  }
0x17: {  	_ =	swait.ge [sflag:s10], $0x2800  }
0x18: {  	[sflag:s10] =	ssyncset.done $0x0  }
0x19: {  	[sflag:s10] =	ssyncadd.s32 $0xFFFFD800  }
0x1a: {  	[tilespmem:s12], [sflag:$0x1] =	stream.linear.gather [hbm4b:s5+s2], $0x2800, $0x38;
	[tilespmem:$0x9F00] =	vst v63  }
0x1b: {  	_ =	swait.ge [sflag:s10], $0x2800  }
0x1c: {  	[sflag:s10] =	ssyncset.done $0x0  }
0x1d: {  	s16 =	simm.s32 $0x0;
	[sflag:s10] =	ssyncadd.s32 $0xFFFFD800  }
.LBB2_2:
0x1e: {  	s17 =	sshra.s32 s16, $0x2  }
0x1f: {  	v1 =	vld [tilespmem:s17+$0x0];
	_ =	sdelay $0x7  }
0x20: {  	[tilespmem:v1+s9+$0x0] =	vst.idx.add.f32.msk $0xffff, v0  }
0x21: {  	v1 =	vld [tilespmem:s17+$0x2800];
	_ =	sdelay $0x7  }
0x22: {  	[tilespmem:v1+s11+$0x0] =	vst.idx.add.f32.msk $0xffff, v0  }
0x23: {  	v1 =	vld [tilespmem:s17+$0x10];
	_ =	sdelay $0x7  }
0x24: {  	[tilespmem:v1+s9+$0x0] =	vst.idx.add.f32.msk $0xffff, v0  }
0x25: {  	v1 =	vld [tilespmem:s17+$0x2810];
	_ =	sdelay $0x7  }
0x26: {  	[tilespmem:v1+s11+$0x0] =	vst.idx.add.f32.msk $0xffff, v0  }
0x27: {  	v1 =	vld [tilespmem:s17+$0x20];
	_ =	sdelay $0x7  }
0x28: {  	[tilespmem:v1+s9+$0x0] =	vst.idx.add.f32.msk $0xffff, v0  }
0x29: {  	v1 =	vld [tilespmem:s17+$0x2820];
	_ =	sdelay $0x7  }
0x2a: {  	[tilespmem:v1+s11+$0x0] =	vst.idx.add.f32.msk $0xffff, v0  }
0x2b: {  	v1 =	vld [tilespmem:s17+$0x30];
	_ =	sdelay $0x7  }
0x2c: {  	[tilespmem:v1+s9+$0x0] =	vst.idx.add.f32.msk $0xffff, v0  }
0x2d: {  	v1 =	vld [tilespmem:s17+$0x2830];
	_ =	sdelay $0x7  }
0x2e: {  	[tilespmem:v1+s11+$0x0] =	vst.idx.add.f32.msk $0xffff, v0  }
0x2f: {  	v1 =	vld [tilespmem:s17+$0x40];
	_ =	sdelay $0x7  }
0x30: {  	[tilespmem:v1+s9+$0x0] =	vst.idx.add.f32.msk $0xffff, v0  }
0x31: {  	v1 =	vld [tilespmem:s17+$0x2840];
	_ =	sdelay $0x7  }
0x32: {  	[tilespmem:v1+s11+$0x0] =	vst.idx.add.f32.msk $0xffff, v0  }
0x33: {  	v1 =	vld [tilespmem:s17+$0x50];
	_ =	sdelay $0x7  }
0x34: {  	[tilespmem:v1+s9+$0x0] =	vst.idx.add.f32.msk $0xffff, v0  }
0x35: {  	v1 =	vld [tilespmem:s17+$0x2850];
	_ =	sdelay $0x7  }
0x36: {  	[tilespmem:v1+s11+$0x0] =	vst.idx.add.f32.msk $0xffff, v0  }
0x37: {  	v1 =	vld [tilespmem:s17+$0x60];
	_ =	sdelay $0x7  }
0x38: {  	[tilespmem:v1+s9+$0x0] =	vst.idx.add.f32.msk $0xffff, v0  }
0x39: {  	v1 =	vld [tilespmem:s17+$0x2860];
	_ =	sdelay $0x7  }
0x3a: {  	[tilespmem:v1+s11+$0x0] =	vst.idx.add.f32.msk $0xffff, v0  }
0x3b: {  	v1 =	vld [tilespmem:s17+$0x70];
	_ =	sdelay $0x7  }
0x3c: {  	[tilespmem:v1+s9+$0x0] =	vst.idx.add.f32.msk $0xffff, v0  }
0x3d: {  	v1 =	vld [tilespmem:s17+$0x2870];
	_ =	sdelay $0x2  }
0x3e: {  	p0 =	sne.s32 s16, $0x9E00  }
.Ltmp0:
0x3f: {  	_ = 	snop;
	(pc) =	sbr.rel @p0 .LBB2_2-.Ltmp0, $2  }
0x40: {  	_ =	sdelay $0x2  }
0x41: {  	s16 =	sadd.s32 $0x200, s16;
	[tilespmem:v1+s11+$0x0] =	vst.idx.add.f32.msk $0xffff, v0  }
0x42: {  	[hbm4b:s6+s13] =	stream.strided.scatter [tilespmem:s9], [sflag:$0x1], $0x2780, s14, s13, $0x38;
	[tilespmem:$0x9F00] =	vst v63  }
0x43: {  	s15 =	sadd.s32 $0x1, s15;
	_ =	swait.ge [sflag:s10], $0x2780  }
0x44: {  	p0 =	sne.s32 s15, s8;
	[sflag:s10] =	ssyncset.done $0x0  }
.Ltmp1:
0x45: {  	[sflag:s10] =	ssyncadd.s32 $0xFFFFD880;
	(pc) =	sbr.rel @p0 .LBB2_1-.Ltmp1, $4  }
0x46: {  	[hbm4b:s7+s13] =	stream.strided.scatter [tilespmem:s11], [sflag:$0x1], $0x2780, s14, s13, $0x38;
	[tilespmem:$0x9F00] =	vst v63  }
0x47: {  	_ =	swait.ge [sflag:s10], $0x2780  }
0x48: {  	[sflag:s10] =	ssyncset.done $0x0  }
0x49: {  	[sflag:s10] =	ssyncadd.s32 $0xFFFFD880  }
0x4a: {  	_ =	sfence.sel $0x180000  }
0x4b: {  	[bflag:$0x0] =	sbarrier.arrive $0xFFFF  }
0x4c: {  	p0 =	sne.s32 s0, $0x0;
	_ =	strace $0x90000047  }
0x4d: {  	s0 =	sadd.s32 @!p0 $0x100000, s1;
	[bflag:$0x2] =	sbarrier.arrive $0xFFFF  }
0x4e: {  	[sflag:s0] =	ssyncadd.tile.s32 @!p0 $0x1;
	_ =	shalt  }
.Lfunc_end2:
_tile_overlayer_lowered:
.L_overlay_start_2:
0x4f: {  	(tag) =	ssettag $0x2  }
0x50: {  	s0 =	rddreg [dreg:$0x0];
	s2 =	stileid.u32  }
0x51: {  	s1 =	rddreg [dreg:$0x1];
	p0 =	sne.s32 s2, $0x0  }
0x52: {  	s3 =	rddreg [dreg:$0x2];
	[bflag:$0x3] =	sbarrier.arrive $0xFFFF;
	s2 =	simm.s32 @!p0 $0x1C01  }
0x53: {  	[timem:s3], [sflag:s2] =	dma.local @!p0 [hbm:s0], s1  }
0x54: {  	s0 =	simm.s32 @!p0 $0x1  }
0x55: {  	_ =	swait.ge @!p0 [sflag:s0], s1  }
0x56: {  	s1 =	ssub.s32 @!p0 $0x0, s1;
	[sflag:s0] =	ssyncset.done @!p0 $0x0  }
0x57: {  	[sflag:s0] =	ssyncadd.s32 @!p0 s1  }
0x58: {  	[bflag:$0x3] =	sbarrier.arrive $0xFFFF  }
0x59: {  	_ =	shalt  }

</sc_bundles>
